<compile_context>
chip_gen: v7x
topology: tpu7x:2x2x1
jax: 0.10.2.dev20260603
libtpu: 0.0.44.dev20260713+nightly
codegen_flags: <defaults>
</compile_context>

<pallas_src>
import functools

import jax
import jax.numpy as jnp
from jax import lax
from jax.experimental import pallas as pl
from jax.experimental.pallas import tpu as pltpu
from jax.experimental.pallas import tpu_sc as plsc

N = 10000
D = 128
E = 320000
MIN_NORM = 1e-15
EPS_F32 = 4e-3

NC = 2
NS = 16
L = 16
NW = NC * NS

CH = 128
CHUNKS = 80
EPW = CH * CHUNKS
E_PAD = EPW * NW
N_PAD = 10240
RPT = N_PAD // NS



def _logmap0_body(x_ref, o_ref):
    x = x_ref[...]
    n = jnp.maximum(jnp.sqrt(jnp.sum(x * x, axis=-1, keepdims=True)), MIN_NORM)
    t = jnp.clip(n, -1.0 + 1e-7, 1.0 - 1e-7)
    artanh = 0.5 * jnp.log((1.0 + t) / (1.0 - t))
    o_ref[...] = (artanh / n) * x


def _add2_body(a_ref, b_ref, o_ref):
    o_ref[...] = a_ref[...] + b_ref[...]


def _final_body(o1_ref, q0_ref, q1_ref, o_ref):
    u = o1_ref[...] + q0_ref[...] + q1_ref[...]
    n = jnp.maximum(jnp.sqrt(jnp.sum(u * u, axis=-1, keepdims=True)), MIN_NORM)
    g = jnp.tanh(n) * u / n
    gn = jnp.maximum(jnp.sqrt(jnp.sum(g * g, axis=-1, keepdims=True)), MIN_NORM)
    maxnorm = 1.0 - EPS_F32
    o_ref[...] = jnp.where(gn > maxnorm, g / gn * maxnorm, g)


_RB = 1000


def _row_spec():
    return pl.BlockSpec((_RB, D), lambda i: (i, 0))


def _tc_call(body, n_in):
    return pl.pallas_call(
        body,
        grid=(N // _RB,),
        in_specs=[_row_spec() for _ in range(n_in)],
        out_specs=_row_spec(),
        out_shape=jax.ShapeDtypeStruct((N, D), jnp.float32),
    )



def _spmm_sc(xt, rowp, colp, wp):
    mesh = plsc.VectorSubcoreMesh(core_axis_name="c", subcore_axis_name="s")

    @functools.partial(
        pl.kernel,
        out_type=(
            jax.ShapeDtypeStruct((N_PAD, D), jnp.float32),
            jax.ShapeDtypeStruct((N_PAD, D), jnp.float32),
        ),
        mesh=mesh,
        scratch_types=[
            pltpu.VMEM_SHARED((N_PAD, D), jnp.float32),
            pltpu.VMEM((CH, D), jnp.float32),
            pltpu.VMEM((CH,), jnp.int32),
            pltpu.VMEM((CH,), jnp.int32),
            pltpu.VMEM((CH, L), jnp.float32),
            pltpu.SemaphoreType.DMA,
        ],
    )
    def k(x_hbm, row_hbm, col_hbm, w_hbm, out0, out1, acc, rows_v, col_v,
          row_v, w_v, sem):
        cid = lax.axis_index("c")
        sid = lax.axis_index("s")
        wid = sid * NC + cid

        def zrow(j, _):
            for kk in range(D // L):
                rows_v[j, pl.ds(kk * L, L)] = jnp.zeros((L,), jnp.float32)
            return ()
        lax.fori_loop(0, CH, zrow, ())
        r0 = sid * RPT
        for zi in range(RPT // CH):
            pltpu.sync_copy(rows_v, acc.at[pl.ds(r0 + zi * CH, CH)])
        plsc.subcore_barrier()

        base = wid * EPW

        def chunk(i, _):
            off = pl.multiple_of(base + i * CH, CH)
            pltpu.sync_copy(col_hbm.at[pl.ds(off, CH)], col_v)
            pltpu.sync_copy(row_hbm.at[pl.ds(off, CH)], row_v)
            pltpu.sync_copy(w_hbm.at[pl.ds(off, CH)], w_v)
            pltpu.async_copy(x_hbm.at[col_v], rows_v, sem).wait()

            def scale(j, _):
                wj = w_v[j, :]
                for kk in range(D // L):
                    sl = pl.ds(kk * L, L)
                    rows_v[j, sl] = rows_v[j, sl] * wj
                return ()
            lax.fori_loop(0, CH, scale, ())

            pltpu.sync_copy(rows_v, acc.at[row_v], add=True)
            return ()

        lax.fori_loop(0, CHUNKS, chunk, ())
        plsc.subcore_barrier()

        @pl.when(cid == 0)
        def _():
            pltpu.sync_copy(acc.at[pl.ds(r0, RPT)], out0.at[pl.ds(r0, RPT)])

        @pl.when(cid == 1)
        def _():
            pltpu.sync_copy(acc.at[pl.ds(r0, RPT)], out1.at[pl.ds(r0, RPT)])

    return k(xt, rowp, colp, wp)



def kernel(x, edge_index, edge_weight):
    row = edge_index[0].astype(jnp.int32)
    col = edge_index[1].astype(jnp.int32)
    pad = E_PAD - E
    rowp = jnp.concatenate([row, jnp.zeros((pad,), jnp.int32)])
    colp = jnp.concatenate([col, jnp.zeros((pad,), jnp.int32)])
    wp = jnp.concatenate([edge_weight.astype(jnp.float32),
                          jnp.zeros((pad,), jnp.float32)])
    wp = jnp.broadcast_to(wp[:, None], (E_PAD, L))

    xt = _tc_call(_logmap0_body, 1)(x)
    p0, p1 = _spmm_sc(xt, rowp, colp, wp)
    out1 = _tc_call(_add2_body, 2)(p0, p1)
    q0, q1 = _spmm_sc(out1, rowp, colp, wp)
    return _tc_call(_final_body, 3)(out1, q0, q1)

# --- scband reference (transcript-rebuilt; emitter-appended) ---
"""Pipeline reference for scband-hyperbolic-graph-convolution-17317308137938 (READ-ONLY COPY).

The authoritative reference and input builder live on the scoring server;
editing this copy changes nothing except your own understanding.
"""

import jax, jax.numpy as jnp
import numpy as np

N_NODES = 10000
D_FEAT = 128
N_EDGES = 320000
C = 1.0
MIN_NORM = 1e-15
EPS_F32 = 4e-3


def _artanh(x):
    x = jnp.clip(x, -1.0 + 1e-7, 1.0 - 1e-7)
    return jnp.arctanh(x)


def _logmap0(p, c):
    sqrt_c = c ** 0.5
    p_norm = jnp.maximum(jnp.linalg.norm(p, axis=-1, keepdims=True), MIN_NORM)
    scale = (1.0 / sqrt_c) * _artanh(sqrt_c * p_norm) / p_norm
    return scale * p


def _expmap0(u, c):
    sqrt_c = c ** 0.5
    u_norm = jnp.maximum(jnp.linalg.norm(u, axis=-1, keepdims=True), MIN_NORM)
    return jnp.tanh(sqrt_c * u_norm) * u / (sqrt_c * u_norm)


def _proj(x, c):
    sqrt_c = c ** 0.5
    norm = jnp.maximum(jnp.linalg.norm(x, axis=-1, keepdims=True), MIN_NORM)
    maxnorm = (1.0 - EPS_F32) / sqrt_c
    cond = norm > maxnorm
    projected = x / norm * maxnorm
    return jnp.where(cond, projected, x)


def _spmm(row, col, w, x, n):
    # torch.spmm(adj, x) with adj in COO form: out[i] = sum_{e: row[e]=i} w[e] * x[col[e]]
    gathered = w[:, None] * jnp.take(x, col, axis=0)
    return jnp.zeros((n, x.shape[1]), x.dtype).at[row].add(gathered)


def setup_inputs(seed: int = 0) -> dict:
    key = jax.random.key(seed)
    k1, k2, k3 = jax.random.split(key, 3)
    x = jax.random.normal(k1, (N_NODES, D_FEAT), dtype=jnp.float32) * 0.01
    edge_index = jax.random.randint(k2, (2, N_EDGES), 0, N_NODES, dtype=jnp.int64)
    edge_weight = jax.random.uniform(k3, (N_EDGES,), dtype=jnp.float32)
    return {"x": x, "edge_index": edge_index, "edge_weight": edge_weight}


def reference(x, edge_index, edge_weight):
    # HyperbolicGraphConvolution.forward((x, adj)) with network='resSumGCN', num_layers=3
    # -> HypAgg: logmap0 -> 2 stacked spmm layers, sum of outputs[1:] -> proj(expmap0)
    n = x.shape[0]
    row = edge_index[0]
    col = edge_index[1]
    x_tangent = _logmap0(x, C)
    out1 = _spmm(row, col, edge_weight, x_tangent, n)
    out2 = _spmm(row, col, edge_weight, out1, n)
    output = out1 + out2
    h = _proj(_expmap0(output, C), C)
    # original returns (h, adj); adj passes through unchanged
    return h

if __name__ == "__main__":
    import jax
    _d = setup_inputs()
    print(jax.jit(kernel)(*tuple(_d.values())))

</pallas_src>

<mosaic_0001>
#map = affine_map<(d0, d1) -> (0, 0)>
#map1 = affine_map<(d0, d1) -> (0)>
module attributes {stable_mosaic.version = 14 : i64} {
  func.func @k(%arg0: i32, %arg1: i32, %arg2: memref<10000x128xf32, #tpu.memory_space<hbm>>, %arg3: memref<327680xi32, #tpu.memory_space<hbm>>, %arg4: memref<327680xi32, #tpu.memory_space<hbm>>, %arg5: memref<327680x16xf32, #tpu.memory_space<hbm>>, %arg6: memref<10240x128xf32, #tpu.memory_space<hbm>>, %arg7: memref<10240x128xf32, #tpu.memory_space<hbm>>, %arg8: memref<10240x128xf32, #tpu.memory_space<vmem_shared>>, %arg9: memref<128x128xf32, #tpu.memory_space<vmem>>, %arg10: memref<128xi32, #tpu.memory_space<vmem>>, %arg11: memref<128xi32, #tpu.memory_space<vmem>>, %arg12: memref<128x16xf32, #tpu.memory_space<vmem>>, %arg13: memref<!tpu.dma_semaphore, #tpu.memory_space<semaphore_mem>>) attributes {dimension_semantics = [#tpu.dimension_semantics<core_parallel>, #tpu.dimension_semantics<subcore_parallel>], iteration_bounds = array<i64: 2, 16>, scalar_prefetch = 0 : i64, scratch_operands = 6 : i64, tpu.core_type = #tpu.core_type<sc_vector_subcore>, window_params = [{transform_indices = #map}, {transform_indices = #map1}, {transform_indices = #map1}, {transform_indices = #map}, {transform_indices = #map}, {transform_indices = #map}]} {
    %mul3A = arith.constant 2 : i32
    %mul3A_0 = arith.muli %arg1, %mul3A : i32
    %add3A = arith.addi %mul3A_0, %arg0 : i32
    %scan3A = arith.constant 0 : i32
    %scan3A_1 = arith.constant 128 : i32
    %scan3A_2 = arith.addi %scan3A, %scan3A_1 : i32
    %scan3A_3 = arith.constant 1 : i32
    scf.for %scan3A_32 = %scan3A to %scan3A_2 step %scan3A_3  : i32 {
      %broadcast_in_dim3A = arith.constant 0.000000e+00 : f32
      %broadcast_in_dim3A_33 = vector.broadcast %broadcast_in_dim3A : f32 to vector<16xf32>
      %swap3A = arith.index_cast %scan3A_32 : i32 to index
      %swap3A_34 = arith.constant 0 : index
      %swap3A_35 = tpu.vector_load %arg9[%swap3A, %swap3A_34] {strides = array<i32>} : memref<128x128xf32, #tpu.memory_space<vmem>>, vector<1x16xf32>,
      %swap3A_36 = vector.shape_cast %swap3A_35 : vector<1x16xf32> to vector<16xf32>
      %swap3A_37 = vector.shape_cast %broadcast_in_dim3A_33 : vector<16xf32> to vector<1x16xf32>
      tpu.vector_store %arg9[%swap3A, %swap3A_34], %swap3A_37 {strides = array<i32>} : memref<128x128xf32, #tpu.memory_space<vmem>>, vector<1x16xf32>,
      %broadcast_in_dim3A_38 = arith.constant 0.000000e+00 : f32
      %broadcast_in_dim3A_39 = vector.broadcast %broadcast_in_dim3A_38 : f32 to vector<16xf32>
      %swap3A_40 = arith.index_cast %scan3A_32 : i32 to index
      %swap3A_41 = arith.constant 16 : index
      %swap3A_42 = tpu.vector_load %arg9[%swap3A_40, %swap3A_41] {strides = array<i32>} : memref<128x128xf32, #tpu.memory_space<vmem>>, vector<1x16xf32>,
      %swap3A_43 = vector.shape_cast %swap3A_42 : vector<1x16xf32> to vector<16xf32>
      %swap3A_44 = vector.shape_cast %broadcast_in_dim3A_39 : vector<16xf32> to vector<1x16xf32>
      tpu.vector_store %arg9[%swap3A_40, %swap3A_41], %swap3A_44 {strides = array<i32>} : memref<128x128xf32, #tpu.memory_space<vmem>>, vector<1x16xf32>,
      %broadcast_in_dim3A_45 = arith.constant 0.000000e+00 : f32
      %broadcast_in_dim3A_46 = vector.broadcast %broadcast_in_dim3A_45 : f32 to vector<16xf32>
      %swap3A_47 = arith.index_cast %scan3A_32 : i32 to index
      %swap3A_48 = arith.constant 32 : index
      %swap3A_49 = tpu.vector_load %arg9[%swap3A_47, %swap3A_48] {strides = array<i32>} : memref<128x128xf32, #tpu.memory_space<vmem>>, vector<1x16xf32>,
      %swap3A_50 = vector.shape_cast %swap3A_49 : vector<1x16xf32> to vector<16xf32>
      %swap3A_51 = vector.shape_cast %broadcast_in_dim3A_46 : vector<16xf32> to vector<1x16xf32>
      tpu.vector_store %arg9[%swap3A_47, %swap3A_48], %swap3A_51 {strides = array<i32>} : memref<128x128xf32, #tpu.memory_space<vmem>>, vector<1x16xf32>,
      %broadcast_in_dim3A_52 = arith.constant 0.000000e+00 : f32
      %broadcast_in_dim3A_53 = vector.broadcast %broadcast_in_dim3A_52 : f32 to vector<16xf32>
      %swap3A_54 = arith.index_cast %scan3A_32 : i32 to index
      %swap3A_55 = arith.constant 48 : index
      %swap3A_56 = tpu.vector_load %arg9[%swap3A_54, %swap3A_55] {strides = array<i32>} : memref<128x128xf32, #tpu.memory_space<vmem>>, vector<1x16xf32>,
      %swap3A_57 = vector.shape_cast %swap3A_56 : vector<1x16xf32> to vector<16xf32>
      %swap3A_58 = vector.shape_cast %broadcast_in_dim3A_53 : vector<16xf32> to vector<1x16xf32>
      tpu.vector_store %arg9[%swap3A_54, %swap3A_55], %swap3A_58 {strides = array<i32>} : memref<128x128xf32, #tpu.memory_space<vmem>>, vector<1x16xf32>,
      %broadcast_in_dim3A_59 = arith.constant 0.000000e+00 : f32
      %broadcast_in_dim3A_60 = vector.broadcast %broadcast_in_dim3A_59 : f32 to vector<16xf32>
      %swap3A_61 = arith.index_cast %scan3A_32 : i32 to index
      %swap3A_62 = arith.constant 64 : index
      %swap3A_63 = tpu.vector_load %arg9[%swap3A_61, %swap3A_62] {strides = array<i32>} : memref<128x128xf32, #tpu.memory_space<vmem>>, vector<1x16xf32>,
      %swap3A_64 = vector.shape_cast %swap3A_63 : vector<1x16xf32> to vector<16xf32>
      %swap3A_65 = vector.shape_cast %broadcast_in_dim3A_60 : vector<16xf32> to vector<1x16xf32>
      tpu.vector_store %arg9[%swap3A_61, %swap3A_62], %swap3A_65 {strides = array<i32>} : memref<128x128xf32, #tpu.memory_space<vmem>>, vector<1x16xf32>,
      %broadcast_in_dim3A_66 = arith.constant 0.000000e+00 : f32
      %broadcast_in_dim3A_67 = vector.broadcast %broadcast_in_dim3A_66 : f32 to vector<16xf32>
      %swap3A_68 = arith.index_cast %scan3A_32 : i32 to index
      %swap3A_69 = arith.constant 80 : index
      %swap3A_70 = tpu.vector_load %arg9[%swap3A_68, %swap3A_69] {strides = array<i32>} : memref<128x128xf32, #tpu.memory_space<vmem>>, vector<1x16xf32>,
      %swap3A_71 = vector.shape_cast %swap3A_70 : vector<1x16xf32> to vector<16xf32>
      %swap3A_72 = vector.shape_cast %broadcast_in_dim3A_67 : vector<16xf32> to vector<1x16xf32>
      tpu.vector_store %arg9[%swap3A_68, %swap3A_69], %swap3A_72 {strides = array<i32>} : memref<128x128xf32, #tpu.memory_space<vmem>>, vector<1x16xf32>,
      %broadcast_in_dim3A_73 = arith.constant 0.000000e+00 : f32
      %broadcast_in_dim3A_74 = vector.broadcast %broadcast_in_dim3A_73 : f32 to vector<16xf32>
      %swap3A_75 = arith.index_cast %scan3A_32 : i32 to index
      %swap3A_76 = arith.constant 96 : index
      %swap3A_77 = tpu.vector_load %arg9[%swap3A_75, %swap3A_76] {strides = array<i32>} : memref<128x128xf32, #tpu.memory_space<vmem>>, vector<1x16xf32>,
      %swap3A_78 = vector.shape_cast %swap3A_77 : vector<1x16xf32> to vector<16xf32>
      %swap3A_79 = vector.shape_cast %broadcast_in_dim3A_74 : vector<16xf32> to vector<1x16xf32>
      tpu.vector_store %arg9[%swap3A_75, %swap3A_76], %swap3A_79 {strides = array<i32>} : memref<128x128xf32, #tpu.memory_space<vmem>>, vector<1x16xf32>,
      %broadcast_in_dim3A_80 = arith.constant 0.000000e+00 : f32
      %broadcast_in_dim3A_81 = vector.broadcast %broadcast_in_dim3A_80 : f32 to vector<16xf32>
      %swap3A_82 = arith.index_cast %scan3A_32 : i32 to index
      %swap3A_83 = arith.constant 112 : index
      %swap3A_84 = tpu.vector_load %arg9[%swap3A_82, %swap3A_83] {strides = array<i32>} : memref<128x128xf32, #tpu.memory_space<vmem>>, vector<1x16xf32>,
      %swap3A_85 = vector.shape_cast %swap3A_84 : vector<1x16xf32> to vector<16xf32>
      %swap3A_86 = vector.shape_cast %broadcast_in_dim3A_81 : vector<16xf32> to vector<1x16xf32>
      tpu.vector_store %arg9[%swap3A_82, %swap3A_83], %swap3A_86 {strides = array<i32>} : memref<128x128xf32, #tpu.memory_space<vmem>>, vector<1x16xf32>,
    }
    %scan3A_4 = arith.constant 128 : i32
    %mul3A_5 = arith.constant 640 : i32
    %mul3A_6 = arith.muli %arg1, %mul3A_5 : i32
    %add3A_7 = arith.constant 0 : i32
    %add3A_8 = arith.addi %mul3A_6, %add3A_7 : i32
    "tpu.region"() ({
      %run_scoped3A = tpu.sem_alloc : memref<!tpu.dma_semaphore, #tpu.memory_space<semaphore_mem>>
      %dma_start3A = arith.constant 0 : i32
      %dma_start3A_32 = tpu.memref_slice %arg8[%add3A_8, %dma_start3A] : memref<10240x128xf32, #tpu.memory_space<vmem_shared>> -> memref<128x128xf32, #tpu.memory_space<vmem_shared>>
      %dma_start3A_33 = arith.constant 0 : i32
      %dma_start3A_34 = tpu.memref_slice %arg8[%add3A_8, %dma_start3A_33] : memref<10240x128xf32, #tpu.memory_space<vmem_shared>> -> memref<128x128xf32, #tpu.memory_space<vmem_shared>>
      tpu.enqueue_dma source(%arg9 : memref<128x128xf32, #tpu.memory_space<vmem>>) target(%dma_start3A_34 : memref<128x128xf32, #tpu.memory_space<vmem_shared>>) target_semaphore(%run_scoped3A : memref<!tpu.dma_semaphore, #tpu.memory_space<semaphore_mem>>)
      %dma_wait3A = arith.constant 0 : i32
      %dma_wait3A_35 = tpu.memref_slice %arg8[%add3A_8, %dma_wait3A] : memref<10240x128xf32, #tpu.memory_space<vmem_shared>> -> memref<128x128xf32, #tpu.memory_space<vmem_shared>>
      %dma_wait3A_36 = arith.constant 0 : i32
      %dma_wait3A_37 = tpu.memref_slice %arg8[%add3A_8, %dma_wait3A_36] : memref<10240x128xf32, #tpu.memory_space<vmem_shared>> -> memref<128x128xf32, #tpu.memory_space<vmem_shared>>
      tpu.wait_dma2 semaphore(%run_scoped3A : memref<!tpu.dma_semaphore, #tpu.memory_space<semaphore_mem>>) src(%arg9 : memref<128x128xf32, #tpu.memory_space<vmem>>) dst(%dma_wait3A_37 : memref<128x128xf32, #tpu.memory_space<vmem_shared>>)
      tpu.yield
    }) : () -> ()
    %add3A_9 = arith.constant 128 : i32
    %add3A_10 = arith.addi %mul3A_6, %add3A_9 : i32
    "tpu.region"() ({
      %run_scoped3A = tpu.sem_alloc : memref<!tpu.dma_semaphore, #tpu.memory_space<semaphore_mem>>
      %dma_start3A = arith.constant 0 : i32
      %dma_start3A_32 = tpu.memref_slice %arg8[%add3A_10, %dma_start3A] : memref<10240x128xf32, #tpu.memory_space<vmem_shared>> -> memref<128x128xf32, #tpu.memory_space<vmem_shared>>
      %dma_start3A_33 = arith.constant 0 : i32
      %dma_start3A_34 = tpu.memref_slice %arg8[%add3A_10, %dma_start3A_33] : memref<10240x128xf32, #tpu.memory_space<vmem_shared>> -> memref<128x128xf32, #tpu.memory_space<vmem_shared>>
      tpu.enqueue_dma source(%arg9 : memref<128x128xf32, #tpu.memory_space<vmem>>) target(%dma_start3A_34 : memref<128x128xf32, #tpu.memory_space<vmem_shared>>) target_semaphore(%run_scoped3A : memref<!tpu.dma_semaphore, #tpu.memory_space<semaphore_mem>>)
      %dma_wait3A = arith.constant 0 : i32
      %dma_wait3A_35 = tpu.memref_slice %arg8[%add3A_10, %dma_wait3A] : memref<10240x128xf32, #tpu.memory_space<vmem_shared>> -> memref<128x128xf32, #tpu.memory_space<vmem_shared>>
      %dma_wait3A_36 = arith.constant 0 : i32
      %dma_wait3A_37 = tpu.memref_slice %arg8[%add3A_10, %dma_wait3A_36] : memref<10240x128xf32, #tpu.memory_space<vmem_shared>> -> memref<128x128xf32, #tpu.memory_space<vmem_shared>>
      tpu.wait_dma2 semaphore(%run_scoped3A : memref<!tpu.dma_semaphore, #tpu.memory_space<semaphore_mem>>) src(%arg9 : memref<128x128xf32, #tpu.memory_space<vmem>>) dst(%dma_wait3A_37 : memref<128x128xf32, #tpu.memory_space<vmem_shared>>)
      tpu.yield
    }) : () -> ()
    %add3A_11 = arith.constant 256 : i32
    %add3A_12 = arith.addi %mul3A_6, %add3A_11 : i32
    "tpu.region"() ({
      %run_scoped3A = tpu.sem_alloc : memref<!tpu.dma_semaphore, #tpu.memory_space<semaphore_mem>>
      %dma_start3A = arith.constant 0 : i32
      %dma_start3A_32 = tpu.memref_slice %arg8[%add3A_12, %dma_start3A] : memref<10240x128xf32, #tpu.memory_space<vmem_shared>> -> memref<128x128xf32, #tpu.memory_space<vmem_shared>>
      %dma_start3A_33 = arith.constant 0 : i32
      %dma_start3A_34 = tpu.memref_slice %arg8[%add3A_12, %dma_start3A_33] : memref<10240x128xf32, #tpu.memory_space<vmem_shared>> -> memref<128x128xf32, #tpu.memory_space<vmem_shared>>
      tpu.enqueue_dma source(%arg9 : memref<128x128xf32, #tpu.memory_space<vmem>>) target(%dma_start3A_34 : memref<128x128xf32, #tpu.memory_space<vmem_shared>>) target_semaphore(%run_scoped3A : memref<!tpu.dma_semaphore, #tpu.memory_space<semaphore_mem>>)
      %dma_wait3A = arith.constant 0 : i32
      %dma_wait3A_35 = tpu.memref_slice %arg8[%add3A_12, %dma_wait3A] : memref<10240x128xf32, #tpu.memory_space<vmem_shared>> -> memref<128x128xf32, #tpu.memory_space<vmem_shared>>
      %dma_wait3A_36 = arith.constant 0 : i32
      %dma_wait3A_37 = tpu.memref_slice %arg8[%add3A_12, %dma_wait3A_36] : memref<10240x128xf32, #tpu.memory_space<vmem_shared>> -> memref<128x128xf32, #tpu.memory_space<vmem_shared>>
      tpu.wait_dma2 semaphore(%run_scoped3A : memref<!tpu.dma_semaphore, #tpu.memory_space<semaphore_mem>>) src(%arg9 : memref<128x128xf32, #tpu.memory_space<vmem>>) dst(%dma_wait3A_37 : memref<128x128xf32, #tpu.memory_space<vmem_shared>>)
      tpu.yield
    }) : () -> ()
    %add3A_13 = arith.constant 384 : i32
    %add3A_14 = arith.addi %mul3A_6, %add3A_13 : i32
    "tpu.region"() ({
      %run_scoped3A = tpu.sem_alloc : memref<!tpu.dma_semaphore, #tpu.memory_space<semaphore_mem>>
      %dma_start3A = arith.constant 0 : i32
      %dma_start3A_32 = tpu.memref_slice %arg8[%add3A_14, %dma_start3A] : memref<10240x128xf32, #tpu.memory_space<vmem_shared>> -> memref<128x128xf32, #tpu.memory_space<vmem_shared>>
      %dma_start3A_33 = arith.constant 0 : i32
      %dma_start3A_34 = tpu.memref_slice %arg8[%add3A_14, %dma_start3A_33] : memref<10240x128xf32, #tpu.memory_space<vmem_shared>> -> memref<128x128xf32, #tpu.memory_space<vmem_shared>>
      tpu.enqueue_dma source(%arg9 : memref<128x128xf32, #tpu.memory_space<vmem>>) target(%dma_start3A_34 : memref<128x128xf32, #tpu.memory_space<vmem_shared>>) target_semaphore(%run_scoped3A : memref<!tpu.dma_semaphore, #tpu.memory_space<semaphore_mem>>)
      %dma_wait3A = arith.constant 0 : i32
      %dma_wait3A_35 = tpu.memref_slice %arg8[%add3A_14, %dma_wait3A] : memref<10240x128xf32, #tpu.memory_space<vmem_shared>> -> memref<128x128xf32, #tpu.memory_space<vmem_shared>>
      %dma_wait3A_36 = arith.constant 0 : i32
      %dma_wait3A_37 = tpu.memref_slice %arg8[%add3A_14, %dma_wait3A_36] : memref<10240x128xf32, #tpu.memory_space<vmem_shared>> -> memref<128x128xf32, #tpu.memory_space<vmem_shared>>
      tpu.wait_dma2 semaphore(%run_scoped3A : memref<!tpu.dma_semaphore, #tpu.memory_space<semaphore_mem>>) src(%arg9 : memref<128x128xf32, #tpu.memory_space<vmem>>) dst(%dma_wait3A_37 : memref<128x128xf32, #tpu.memory_space<vmem_shared>>)
      tpu.yield
    }) : () -> ()
    %add3A_15 = arith.constant 512 : i32
    %add3A_16 = arith.addi %mul3A_6, %add3A_15 : i32
    "tpu.region"() ({
      %run_scoped3A = tpu.sem_alloc : memref<!tpu.dma_semaphore, #tpu.memory_space<semaphore_mem>>
      %dma_start3A = arith.constant 0 : i32
      %dma_start3A_32 = tpu.memref_slice %arg8[%add3A_16, %dma_start3A] : memref<10240x128xf32, #tpu.memory_space<vmem_shared>> -> memref<128x128xf32, #tpu.memory_space<vmem_shared>>
      %dma_start3A_33 = arith.constant 0 : i32
      %dma_start3A_34 = tpu.memref_slice %arg8[%add3A_16, %dma_start3A_33] : memref<10240x128xf32, #tpu.memory_space<vmem_shared>> -> memref<128x128xf32, #tpu.memory_space<vmem_shared>>
      tpu.enqueue_dma source(%arg9 : memref<128x128xf32, #tpu.memory_space<vmem>>) target(%dma_start3A_34 : memref<128x128xf32, #tpu.memory_space<vmem_shared>>) target_semaphore(%run_scoped3A : memref<!tpu.dma_semaphore, #tpu.memory_space<semaphore_mem>>)
      %dma_wait3A = arith.constant 0 : i32
      %dma_wait3A_35 = tpu.memref_slice %arg8[%add3A_16, %dma_wait3A] : memref<10240x128xf32, #tpu.memory_space<vmem_shared>> -> memref<128x128xf32, #tpu.memory_space<vmem_shared>>
      %dma_wait3A_36 = arith.constant 0 : i32
      %dma_wait3A_37 = tpu.memref_slice %arg8[%add3A_16, %dma_wait3A_36] : memref<10240x128xf32, #tpu.memory_space<vmem_shared>> -> memref<128x128xf32, #tpu.memory_space<vmem_shared>>
      tpu.wait_dma2 semaphore(%run_scoped3A : memref<!tpu.dma_semaphore, #tpu.memory_space<semaphore_mem>>) src(%arg9 : memref<128x128xf32, #tpu.memory_space<vmem>>) dst(%dma_wait3A_37 : memref<128x128xf32, #tpu.memory_space<vmem_shared>>)
      tpu.yield
    }) : () -> ()
    %barrier3A = arith.constant 0 : index
    tpu.barrier barrier_id(%barrier3A)
    %mul3A_17 = arith.constant 10240 : i32
    %mul3A_18 = arith.muli %add3A, %mul3A_17 : i32
    %scan3A_19 = arith.constant 0 : i32
    %scan3A_20 = arith.constant 80 : i32
    %scan3A_21 = arith.addi %scan3A_19, %scan3A_20 : i32
    %scan3A_22 = arith.constant 1 : i32
    scf.for %scan3A_32 = %scan3A_19 to %scan3A_21 step %scan3A_22  : i32 {
      %mul3A_33 = arith.constant 128 : i32
      %mul3A_34 = arith.muli %scan3A_32, %mul3A_33 : i32
      %add3A_35 = arith.addi %mul3A_18, %mul3A_34 : i32
      %multiple_of3A = tpu.assume_multiple %add3A_35, 128 : i32
      "tpu.region"() ({
        %run_scoped3A = tpu.sem_alloc : memref<!tpu.dma_semaphore, #tpu.memory_space<semaphore_mem>>
        %dma_start3A_45 = tpu.memref_slice %arg4[%multiple_of3A] : memref<327680xi32, #tpu.memory_space<hbm>> -> memref<128xi32, #tpu.memory_space<hbm>>
        %dma_start3A_46 = tpu.memref_slice %arg4[%multiple_of3A] : memref<327680xi32, #tpu.memory_space<hbm>> -> memref<128xi32, #tpu.memory_space<hbm>>
        tpu.enqueue_dma source(%dma_start3A_46 : memref<128xi32, #tpu.memory_space<hbm>>) target(%arg10 : memref<128xi32, #tpu.memory_space<vmem>>) target_semaphore(%run_scoped3A : memref<!tpu.dma_semaphore, #tpu.memory_space<semaphore_mem>>)
        %dma_wait3A_47 = tpu.memref_slice %arg4[%multiple_of3A] : memref<327680xi32, #tpu.memory_space<hbm>> -> memref<128xi32, #tpu.memory_space<hbm>>
        %dma_wait3A_48 = tpu.memref_slice %arg4[%multiple_of3A] : memref<327680xi32, #tpu.memory_space<hbm>> -> memref<128xi32, #tpu.memory_space<hbm>>
        tpu.wait_dma2 semaphore(%run_scoped3A : memref<!tpu.dma_semaphore, #tpu.memory_space<semaphore_mem>>) src(%dma_wait3A_48 : memref<128xi32, #tpu.memory_space<hbm>>) dst(%arg10 : memref<128xi32, #tpu.memory_space<vmem>>)
        tpu.yield
      }) : () -> ()
      "tpu.region"() ({
        %run_scoped3A = tpu.sem_alloc : memref<!tpu.dma_semaphore, #tpu.memory_space<semaphore_mem>>
        %dma_start3A_45 = tpu.memref_slice %arg3[%multiple_of3A] : memref<327680xi32, #tpu.memory_space<hbm>> -> memref<128xi32, #tpu.memory_space<hbm>>
        %dma_start3A_46 = tpu.memref_slice %arg3[%multiple_of3A] : memref<327680xi32, #tpu.memory_space<hbm>> -> memref<128xi32, #tpu.memory_space<hbm>>
        tpu.enqueue_dma source(%dma_start3A_46 : memref<128xi32, #tpu.memory_space<hbm>>) target(%arg11 : memref<128xi32, #tpu.memory_space<vmem>>) target_semaphore(%run_scoped3A : memref<!tpu.dma_semaphore, #tpu.memory_space<semaphore_mem>>)
        %dma_wait3A_47 = tpu.memref_slice %arg3[%multiple_of3A] : memref<327680xi32, #tpu.memory_space<hbm>> -> memref<128xi32, #tpu.memory_space<hbm>>
        %dma_wait3A_48 = tpu.memref_slice %arg3[%multiple_of3A] : memref<327680xi32, #tpu.memory_space<hbm>> -> memref<128xi32, #tpu.memory_space<hbm>>
        tpu.wait_dma2 semaphore(%run_scoped3A : memref<!tpu.dma_semaphore, #tpu.memory_space<semaphore_mem>>) src(%dma_wait3A_48 : memref<128xi32, #tpu.memory_space<hbm>>) dst(%arg11 : memref<128xi32, #tpu.memory_space<vmem>>)
        tpu.yield
      }) : () -> ()
      "tpu.region"() ({
        %run_scoped3A = tpu.sem_alloc : memref<!tpu.dma_semaphore, #tpu.memory_space<semaphore_mem>>
        %dma_start3A_45 = arith.constant 0 : i32
        %dma_start3A_46 = tpu.memref_slice %arg5[%multiple_of3A, %dma_start3A_45] : memref<327680x16xf32, #tpu.memory_space<hbm>> -> memref<128x16xf32, #tpu.memory_space<hbm>>
        %dma_start3A_47 = arith.constant 0 : i32
        %dma_start3A_48 = tpu.memref_slice %arg5[%multiple_of3A, %dma_start3A_47] : memref<327680x16xf32, #tpu.memory_space<hbm>> -> memref<128x16xf32, #tpu.memory_space<hbm>>
        tpu.enqueue_dma source(%dma_start3A_48 : memref<128x16xf32, #tpu.memory_space<hbm>>) target(%arg12 : memref<128x16xf32, #tpu.memory_space<vmem>>) target_semaphore(%run_scoped3A : memref<!tpu.dma_semaphore, #tpu.memory_space<semaphore_mem>>)
        %dma_wait3A_49 = arith.constant 0 : i32
        %dma_wait3A_50 = tpu.memref_slice %arg5[%multiple_of3A, %dma_wait3A_49] : memref<327680x16xf32, #tpu.memory_space<hbm>> -> memref<128x16xf32, #tpu.memory_space<hbm>>
        %dma_wait3A_51 = arith.constant 0 : i32
        %dma_wait3A_52 = tpu.memref_slice %arg5[%multiple_of3A, %dma_wait3A_51] : memref<327680x16xf32, #tpu.memory_space<hbm>> -> memref<128x16xf32, #tpu.memory_space<hbm>>
        tpu.wait_dma2 semaphore(%run_scoped3A : memref<!tpu.dma_semaphore, #tpu.memory_space<semaphore_mem>>) src(%dma_wait3A_52 : memref<128x16xf32, #tpu.memory_space<hbm>>) dst(%arg12 : memref<128x16xf32, #tpu.memory_space<vmem>>)
        tpu.yield
      }) : () -> ()
      %dma_start3A = arith.constant 0 : i32
      %dma_start3A_36 = arith.constant 0 : i32
      %dma_start3A_37 = tpu.memref_slice %arg2[%dma_start3A, %dma_start3A_36] : memref<10000x128xf32, #tpu.memory_space<hbm>> -> memref<10000x128xf32, #tpu.memory_space<hbm>>
      tpu.enqueue_indirect_dma source(%dma_start3A_37 : memref<10000x128xf32, #tpu.memory_space<hbm>>) target(%arg9 : memref<128x128xf32, #tpu.memory_space<vmem>>) offsets(%arg10 : memref<128xi32, #tpu.memory_space<vmem>>) semaphore(%arg13 : memref<!tpu.dma_semaphore, #tpu.memory_space<semaphore_mem>>)
      %dma_wait3A = arith.constant 0 : i32
      %dma_wait3A_38 = arith.constant 0 : i32
      %dma_wait3A_39 = tpu.memref_slice %arg2[%dma_wait3A, %dma_wait3A_38] : memref<10000x128xf32, #tpu.memory_space<hbm>> -> memref<10000x128xf32, #tpu.memory_space<hbm>>
      tpu.wait_indirect_dma semaphore(%arg13 : memref<!tpu.dma_semaphore, #tpu.memory_space<semaphore_mem>>) src(%dma_wait3A_39 : memref<10000x128xf32, #tpu.memory_space<hbm>>) dst(%arg9 : memref<128x128xf32, #tpu.memory_space<vmem>>)
      %scan3A_40 = arith.constant 0 : i32
      %scan3A_41 = arith.constant 128 : i32
      %scan3A_42 = arith.addi %scan3A_40, %scan3A_41 : i32
      %scan3A_43 = arith.constant 1 : i32
      scf.for %scan3A_45 = %scan3A_40 to %scan3A_42 step %scan3A_43  : i32 {
        %get3A = arith.index_cast %scan3A_45 : i32 to index
        %get3A_46 = arith.constant 0 : index
        %get3A_47 = tpu.vector_load %arg12[%get3A, %get3A_46] {strides = array<i32>} : memref<128x16xf32, #tpu.memory_space<vmem>>, vector<1x16xf32>,
        %get3A_48 = vector.shape_cast %get3A_47 : vector<1x16xf32> to vector<16xf32>
        %get3A_49 = arith.index_cast %scan3A_45 : i32 to index
        %get3A_50 = arith.constant 0 : index
        %get3A_51 = tpu.vector_load %arg9[%get3A_49, %get3A_50] {strides = array<i32>} : memref<128x128xf32, #tpu.memory_space<vmem>>, vector<1x16xf32>,
        %get3A_52 = vector.shape_cast %get3A_51 : vector<1x16xf32> to vector<16xf32>
        %mul3A_53 = arith.mulf %get3A_52, %get3A_48 : vector<16xf32>
        %swap3A = arith.index_cast %scan3A_45 : i32 to index
        %swap3A_54 = arith.constant 0 : index
        %swap3A_55 = tpu.vector_load %arg9[%swap3A, %swap3A_54] {strides = array<i32>} : memref<128x128xf32, #tpu.memory_space<vmem>>, vector<1x16xf32>,
        %swap3A_56 = vector.shape_cast %swap3A_55 : vector<1x16xf32> to vector<16xf32>
        %swap3A_57 = vector.shape_cast %mul3A_53 : vector<16xf32> to vector<1x16xf32>
        tpu.vector_store %arg9[%swap3A, %swap3A_54], %swap3A_57 {strides = array<i32>} : memref<128x128xf32, #tpu.memory_space<vmem>>, vector<1x16xf32>,
        %get3A_58 = arith.index_cast %scan3A_45 : i32 to index
        %get3A_59 = arith.constant 16 : index
        %get3A_60 = tpu.vector_load %arg9[%get3A_58, %get3A_59] {strides = array<i32>} : memref<128x128xf32, #tpu.memory_space<vmem>>, vector<1x16xf32>,
        %get3A_61 = vector.shape_cast %get3A_60 : vector<1x16xf32> to vector<16xf32>
        %mul3A_62 = arith.mulf %get3A_61, %get3A_48 : vector<16xf32>
        %swap3A_63 = arith.index_cast %scan3A_45 : i32 to index
        %swap3A_64 = arith.constant 16 : index
        %swap3A_65 = tpu.vector_load %arg9[%swap3A_63, %swap3A_64] {strides = array<i32>} : memref<128x128xf32, #tpu.memory_space<vmem>>, vector<1x16xf32>,
        %swap3A_66 = vector.shape_cast %swap3A_65 : vector<1x16xf32> to vector<16xf32>
        %swap3A_67 = vector.shape_cast %mul3A_62 : vector<16xf32> to vector<1x16xf32>
        tpu.vector_store %arg9[%swap3A_63, %swap3A_64], %swap3A_67 {strides = array<i32>} : memref<128x128xf32, #tpu.memory_space<vmem>>, vector<1x16xf32>,
        %get3A_68 = arith.index_cast %scan3A_45 : i32 to index
        %get3A_69 = arith.constant 32 : index
        %get3A_70 = tpu.vector_load %arg9[%get3A_68, %get3A_69] {strides = array<i32>} : memref<128x128xf32, #tpu.memory_space<vmem>>, vector<1x16xf32>,
        %get3A_71 = vector.shape_cast %get3A_70 : vector<1x16xf32> to vector<16xf32>
        %mul3A_72 = arith.mulf %get3A_71, %get3A_48 : vector<16xf32>
        %swap3A_73 = arith.index_cast %scan3A_45 : i32 to index
        %swap3A_74 = arith.constant 32 : index
        %swap3A_75 = tpu.vector_load %arg9[%swap3A_73, %swap3A_74] {strides = array<i32>} : memref<128x128xf32, #tpu.memory_space<vmem>>, vector<1x16xf32>,
        %swap3A_76 = vector.shape_cast %swap3A_75 : vector<1x16xf32> to vector<16xf32>
        %swap3A_77 = vector.shape_cast %mul3A_72 : vector<16xf32> to vector<1x16xf32>
        tpu.vector_store %arg9[%swap3A_73, %swap3A_74], %swap3A_77 {strides = array<i32>} : memref<128x128xf32, #tpu.memory_space<vmem>>, vector<1x16xf32>,
        %get3A_78 = arith.index_cast %scan3A_45 : i32 to index
        %get3A_79 = arith.constant 48 : index
        %get3A_80 = tpu.vector_load %arg9[%get3A_78, %get3A_79] {strides = array<i32>} : memref<128x128xf32, #tpu.memory_space<vmem>>, vector<1x16xf32>,
        %get3A_81 = vector.shape_cast %get3A_80 : vector<1x16xf32> to vector<16xf32>
        %mul3A_82 = arith.mulf %get3A_81, %get3A_48 : vector<16xf32>
        %swap3A_83 = arith.index_cast %scan3A_45 : i32 to index
        %swap3A_84 = arith.constant 48 : index
        %swap3A_85 = tpu.vector_load %arg9[%swap3A_83, %swap3A_84] {strides = array<i32>} : memref<128x128xf32, #tpu.memory_space<vmem>>, vector<1x16xf32>,
        %swap3A_86 = vector.shape_cast %swap3A_85 : vector<1x16xf32> to vector<16xf32>
        %swap3A_87 = vector.shape_cast %mul3A_82 : vector<16xf32> to vector<1x16xf32>
        tpu.vector_store %arg9[%swap3A_83, %swap3A_84], %swap3A_87 {strides = array<i32>} : memref<128x128xf32, #tpu.memory_space<vmem>>, vector<1x16xf32>,
        %get3A_88 = arith.index_cast %scan3A_45 : i32 to index
        %get3A_89 = arith.constant 64 : index
        %get3A_90 = tpu.vector_load %arg9[%get3A_88, %get3A_89] {strides = array<i32>} : memref<128x128xf32, #tpu.memory_space<vmem>>, vector<1x16xf32>,
        %get3A_91 = vector.shape_cast %get3A_90 : vector<1x16xf32> to vector<16xf32>
        %mul3A_92 = arith.mulf %get3A_91, %get3A_48 : vector<16xf32>
        %swap3A_93 = arith.index_cast %scan3A_45 : i32 to index
        %swap3A_94 = arith.constant 64 : index
        %swap3A_95 = tpu.vector_load %arg9[%swap3A_93, %swap3A_94] {strides = array<i32>} : memref<128x128xf32, #tpu.memory_space<vmem>>, vector<1x16xf32>,
        %swap3A_96 = vector.shape_cast %swap3A_95 : vector<1x16xf32> to vector<16xf32>
        %swap3A_97 = vector.shape_cast %mul3A_92 : vector<16xf32> to vector<1x16xf32>
        tpu.vector_store %arg9[%swap3A_93, %swap3A_94], %swap3A_97 {strides = array<i32>} : memref<128x128xf32, #tpu.memory_space<vmem>>, vector<1x16xf32>,
        %get3A_98 = arith.index_cast %scan3A_45 : i32 to index
        %get3A_99 = arith.constant 80 : index
        %get3A_100 = tpu.vector_load %arg9[%get3A_98, %get3A_99] {strides = array<i32>} : memref<128x128xf32, #tpu.memory_space<vmem>>, vector<1x16xf32>,
        %get3A_101 = vector.shape_cast %get3A_100 : vector<1x16xf32> to vector<16xf32>
        %mul3A_102 = arith.mulf %get3A_101, %get3A_48 : vector<16xf32>
        %swap3A_103 = arith.index_cast %scan3A_45 : i32 to index
        %swap3A_104 = arith.constant 80 : index
        %swap3A_105 = tpu.vector_load %arg9[%swap3A_103, %swap3A_104] {strides = array<i32>} : memref<128x128xf32, #tpu.memory_space<vmem>>, vector<1x16xf32>,
        %swap3A_106 = vector.shape_cast %swap3A_105 : vector<1x16xf32> to vector<16xf32>
        %swap3A_107 = vector.shape_cast %mul3A_102 : vector<16xf32> to vector<1x16xf32>
        tpu.vector_store %arg9[%swap3A_103, %swap3A_104], %swap3A_107 {strides = array<i32>} : memref<128x128xf32, #tpu.memory_space<vmem>>, vector<1x16xf32>,
        %get3A_108 = arith.index_cast %scan3A_45 : i32 to index
        %get3A_109 = arith.constant 96 : index
        %get3A_110 = tpu.vector_load %arg9[%get3A_108, %get3A_109] {strides = array<i32>} : memref<128x128xf32, #tpu.memory_space<vmem>>, vector<1x16xf32>,
        %get3A_111 = vector.shape_cast %get3A_110 : vector<1x16xf32> to vector<16xf32>
        %mul3A_112 = arith.mulf %get3A_111, %get3A_48 : vector<16xf32>
        %swap3A_113 = arith.index_cast %scan3A_45 : i32 to index
        %swap3A_114 = arith.constant 96 : index
        %swap3A_115 = tpu.vector_load %arg9[%swap3A_113, %swap3A_114] {strides = array<i32>} : memref<128x128xf32, #tpu.memory_space<vmem>>, vector<1x16xf32>,
        %swap3A_116 = vector.shape_cast %swap3A_115 : vector<1x16xf32> to vector<16xf32>
        %swap3A_117 = vector.shape_cast %mul3A_112 : vector<16xf32> to vector<1x16xf32>
        tpu.vector_store %arg9[%swap3A_113, %swap3A_114], %swap3A_117 {strides = array<i32>} : memref<128x128xf32, #tpu.memory_space<vmem>>, vector<1x16xf32>,
        %get3A_118 = arith.index_cast %scan3A_45 : i32 to index
        %get3A_119 = arith.constant 112 : index
        %get3A_120 = tpu.vector_load %arg9[%get3A_118, %get3A_119] {strides = array<i32>} : memref<128x128xf32, #tpu.memory_space<vmem>>, vector<1x16xf32>,
        %get3A_121 = vector.shape_cast %get3A_120 : vector<1x16xf32> to vector<16xf32>
        %mul3A_122 = arith.mulf %get3A_121, %get3A_48 : vector<16xf32>
        %swap3A_123 = arith.index_cast %scan3A_45 : i32 to index
        %swap3A_124 = arith.constant 112 : index
        %swap3A_125 = tpu.vector_load %arg9[%swap3A_123, %swap3A_124] {strides = array<i32>} : memref<128x128xf32, #tpu.memory_space<vmem>>, vector<1x16xf32>,
        %swap3A_126 = vector.shape_cast %swap3A_125 : vector<1x16xf32> to vector<16xf32>
        %swap3A_127 = vector.shape_cast %mul3A_122 : vector<16xf32> to vector<1x16xf32>
        tpu.vector_store %arg9[%swap3A_123, %swap3A_124], %swap3A_127 {strides = array<i32>} : memref<128x128xf32, #tpu.memory_space<vmem>>, vector<1x16xf32>,
      }
      %scan3A_44 = arith.constant 128 : i32
      "tpu.region"() ({
        %run_scoped3A = tpu.sem_alloc : memref<!tpu.dma_semaphore, #tpu.memory_space<semaphore_mem>>
        %dma_start3A_45 = arith.constant 0 : i32
        %dma_start3A_46 = arith.constant 0 : i32
        %dma_start3A_47 = tpu.memref_slice %arg8[%dma_start3A_45, %dma_start3A_46] : memref<10240x128xf32, #tpu.memory_space<vmem_shared>> -> memref<10240x128xf32, #tpu.memory_space<vmem_shared>>
        tpu.enqueue_indirect_dma source(%arg9 : memref<128x128xf32, #tpu.memory_space<vmem>>) target(%dma_start3A_47 : memref<10240x128xf32, #tpu.memory_space<vmem_shared>>) offsets(%arg11 : memref<128xi32, #tpu.memory_space<vmem>>) semaphore(%run_scoped3A : memref<!tpu.dma_semaphore, #tpu.memory_space<semaphore_mem>>) {add = true}
        %dma_wait3A_48 = arith.constant 0 : i32
        %dma_wait3A_49 = arith.constant 0 : i32
        %dma_wait3A_50 = tpu.memref_slice %arg8[%dma_wait3A_48, %dma_wait3A_49] : memref<10240x128xf32, #tpu.memory_space<vmem_shared>> -> memref<10240x128xf32, #tpu.memory_space<vmem_shared>>
        tpu.wait_indirect_dma semaphore(%run_scoped3A : memref<!tpu.dma_semaphore, #tpu.memory_space<semaphore_mem>>) src(%arg9 : memref<128x128xf32, #tpu.memory_space<vmem>>) dst(%dma_wait3A_50 : memref<10240x128xf32, #tpu.memory_space<vmem_shared>>)
        tpu.yield
      }) : () -> ()
    }
    %scan3A_23 = arith.constant 80 : i32
    %barrier3A_24 = arith.constant 0 : index
    tpu.barrier barrier_id(%barrier3A_24)
    %eq3A = arith.constant 0 : i32
    %eq3A_25 = arith.cmpi eq, %arg0, %eq3A : i32
    %convert_element_type3A = arith.extui %eq3A_25 : i1 to i32
    %cond3A = arith.constant 0 : i32
    %cond3A_26 = arith.cmpi ne, %convert_element_type3A, %cond3A : i32
    scf.if %cond3A_26 {
      "tpu.region"() ({
        %run_scoped3A = tpu.sem_alloc : memref<!tpu.dma_semaphore, #tpu.memory_space<semaphore_mem>>
        %dma_start3A = arith.constant 0 : i32
        %dma_start3A_32 = tpu.memref_slice %arg6[%mul3A_6, %dma_start3A] : memref<10240x128xf32, #tpu.memory_space<hbm>> -> memref<640x128xf32, #tpu.memory_space<hbm>>
        %dma_start3A_33 = arith.constant 0 : i32
        %dma_start3A_34 = tpu.memref_slice %arg8[%mul3A_6, %dma_start3A_33] : memref<10240x128xf32, #tpu.memory_space<vmem_shared>> -> memref<640x128xf32, #tpu.memory_space<vmem_shared>>
        tpu.enqueue_dma source(%dma_start3A_34 : memref<640x128xf32, #tpu.memory_space<vmem_shared>>) target(%dma_start3A_32 : memref<640x128xf32, #tpu.memory_space<hbm>>) target_semaphore(%run_scoped3A : memref<!tpu.dma_semaphore, #tpu.memory_space<semaphore_mem>>)
        %dma_wait3A = arith.constant 0 : i32
        %dma_wait3A_35 = tpu.memref_slice %arg6[%mul3A_6, %dma_wait3A] : memref<10240x128xf32, #tpu.memory_space<hbm>> -> memref<640x128xf32, #tpu.memory_space<hbm>>
        %dma_wait3A_36 = arith.constant 0 : i32
        %dma_wait3A_37 = tpu.memref_slice %arg8[%mul3A_6, %dma_wait3A_36] : memref<10240x128xf32, #tpu.memory_space<vmem_shared>> -> memref<640x128xf32, #tpu.memory_space<vmem_shared>>
        tpu.wait_dma2 semaphore(%run_scoped3A : memref<!tpu.dma_semaphore, #tpu.memory_space<semaphore_mem>>) src(%dma_wait3A_37 : memref<640x128xf32, #tpu.memory_space<vmem_shared>>) dst(%dma_wait3A_35 : memref<640x128xf32, #tpu.memory_space<hbm>>)
        tpu.yield
      }) : () -> ()
    } else {
    }
    %eq3A_27 = arith.constant 1 : i32
    %eq3A_28 = arith.cmpi eq, %arg0, %eq3A_27 : i32
    %convert_element_type3A_29 = arith.extui %eq3A_28 : i1 to i32
    %cond3A_30 = arith.constant 0 : i32
    %cond3A_31 = arith.cmpi ne, %convert_element_type3A_29, %cond3A_30 : i32
    scf.if %cond3A_31 {
      "tpu.region"() ({
        %run_scoped3A = tpu.sem_alloc : memref<!tpu.dma_semaphore, #tpu.memory_space<semaphore_mem>>
        %dma_start3A = arith.constant 0 : i32
        %dma_start3A_32 = tpu.memref_slice %arg7[%mul3A_6, %dma_start3A] : memref<10240x128xf32, #tpu.memory_space<hbm>> -> memref<640x128xf32, #tpu.memory_space<hbm>>
        %dma_start3A_33 = arith.constant 0 : i32
        %dma_start3A_34 = tpu.memref_slice %arg8[%mul3A_6, %dma_start3A_33] : memref<10240x128xf32, #tpu.memory_space<vmem_shared>> -> memref<640x128xf32, #tpu.memory_space<vmem_shared>>
        tpu.enqueue_dma source(%dma_start3A_34 : memref<640x128xf32, #tpu.memory_space<vmem_shared>>) target(%dma_start3A_32 : memref<640x128xf32, #tpu.memory_space<hbm>>) target_semaphore(%run_scoped3A : memref<!tpu.dma_semaphore, #tpu.memory_space<semaphore_mem>>)
        %dma_wait3A = arith.constant 0 : i32
        %dma_wait3A_35 = tpu.memref_slice %arg7[%mul3A_6, %dma_wait3A] : memref<10240x128xf32, #tpu.memory_space<hbm>> -> memref<640x128xf32, #tpu.memory_space<hbm>>
        %dma_wait3A_36 = arith.constant 0 : i32
        %dma_wait3A_37 = tpu.memref_slice %arg8[%mul3A_6, %dma_wait3A_36] : memref<10240x128xf32, #tpu.memory_space<vmem_shared>> -> memref<640x128xf32, #tpu.memory_space<vmem_shared>>
        tpu.wait_dma2 semaphore(%run_scoped3A : memref<!tpu.dma_semaphore, #tpu.memory_space<semaphore_mem>>) src(%dma_wait3A_37 : memref<640x128xf32, #tpu.memory_space<vmem_shared>>) dst(%dma_wait3A_35 : memref<640x128xf32, #tpu.memory_space<hbm>>)
        tpu.yield
      }) : () -> ()
    } else {
    }
    return
  }
}

#map = affine_map<(d0, d1) -> (0, 0)>
#map1 = affine_map<(d0, d1) -> (0)>
module attributes {stable_mosaic.version = 14 : i64} {
  func.func @k(%arg0: i32, %arg1: i32, %arg2: memref<10000x128xf32, #tpu.memory_space<hbm>>, %arg3: memref<327680xi32, #tpu.memory_space<hbm>>, %arg4: memref<327680xi32, #tpu.memory_space<hbm>>, %arg5: memref<327680x16xf32, #tpu.memory_space<hbm>>, %arg6: memref<10240x128xf32, #tpu.memory_space<hbm>>, %arg7: memref<10240x128xf32, #tpu.memory_space<hbm>>, %arg8: memref<10240x128xf32, #tpu.memory_space<vmem_shared>>, %arg9: memref<128x128xf32, #tpu.memory_space<vmem>>, %arg10: memref<128xi32, #tpu.memory_space<vmem>>, %arg11: memref<128xi32, #tpu.memory_space<vmem>>, %arg12: memref<128x16xf32, #tpu.memory_space<vmem>>, %arg13: memref<!tpu.dma_semaphore, #tpu.memory_space<semaphore_mem>>) attributes {dimension_semantics = [#tpu.dimension_semantics<core_parallel>, #tpu.dimension_semantics<subcore_parallel>], iteration_bounds = array<i64: 2, 16>, scalar_prefetch = 0 : i64, scratch_operands = 6 : i64, tpu.core_type = #tpu.core_type<sc_vector_subcore>, window_params = [{transform_indices = #map}, {transform_indices = #map1}, {transform_indices = #map1}, {transform_indices = #map}, {transform_indices = #map}, {transform_indices = #map}]} {
    %mul3A = arith.constant 2 : i32
    %mul3A_0 = arith.muli %arg1, %mul3A : i32
    %add3A = arith.addi %mul3A_0, %arg0 : i32
    %scan3A = arith.constant 0 : i32
    %scan3A_1 = arith.constant 128 : i32
    %scan3A_2 = arith.addi %scan3A, %scan3A_1 : i32
    %scan3A_3 = arith.constant 1 : i32
    scf.for %scan3A_32 = %scan3A to %scan3A_2 step %scan3A_3  : i32 {
      %broadcast_in_dim3A = arith.constant 0.000000e+00 : f32
      %broadcast_in_dim3A_33 = vector.broadcast %broadcast_in_dim3A : f32 to vector<16xf32>
      %swap3A = arith.index_cast %scan3A_32 : i32 to index
      %swap3A_34 = arith.constant 0 : index
      %swap3A_35 = tpu.vector_load %arg9[%swap3A, %swap3A_34] {strides = array<i32>} : memref<128x128xf32, #tpu.memory_space<vmem>>, vector<1x16xf32>,
      %swap3A_36 = vector.shape_cast %swap3A_35 : vector<1x16xf32> to vector<16xf32>
      %swap3A_37 = vector.shape_cast %broadcast_in_dim3A_33 : vector<16xf32> to vector<1x16xf32>
      tpu.vector_store %arg9[%swap3A, %swap3A_34], %swap3A_37 {strides = array<i32>} : memref<128x128xf32, #tpu.memory_space<vmem>>, vector<1x16xf32>,
      %broadcast_in_dim3A_38 = arith.constant 0.000000e+00 : f32
      %broadcast_in_dim3A_39 = vector.broadcast %broadcast_in_dim3A_38 : f32 to vector<16xf32>
      %swap3A_40 = arith.index_cast %scan3A_32 : i32 to index
      %swap3A_41 = arith.constant 16 : index
      %swap3A_42 = tpu.vector_load %arg9[%swap3A_40, %swap3A_41] {strides = array<i32>} : memref<128x128xf32, #tpu.memory_space<vmem>>, vector<1x16xf32>,
      %swap3A_43 = vector.shape_cast %swap3A_42 : vector<1x16xf32> to vector<16xf32>
      %swap3A_44 = vector.shape_cast %broadcast_in_dim3A_39 : vector<16xf32> to vector<1x16xf32>
      tpu.vector_store %arg9[%swap3A_40, %swap3A_41], %swap3A_44 {strides = array<i32>} : memref<128x128xf32, #tpu.memory_space<vmem>>, vector<1x16xf32>,
      %broadcast_in_dim3A_45 = arith.constant 0.000000e+00 : f32
      %broadcast_in_dim3A_46 = vector.broadcast %broadcast_in_dim3A_45 : f32 to vector<16xf32>
      %swap3A_47 = arith.index_cast %scan3A_32 : i32 to index
      %swap3A_48 = arith.constant 32 : index
      %swap3A_49 = tpu.vector_load %arg9[%swap3A_47, %swap3A_48] {strides = array<i32>} : memref<128x128xf32, #tpu.memory_space<vmem>>, vector<1x16xf32>,
      %swap3A_50 = vector.shape_cast %swap3A_49 : vector<1x16xf32> to vector<16xf32>
      %swap3A_51 = vector.shape_cast %broadcast_in_dim3A_46 : vector<16xf32> to vector<1x16xf32>
      tpu.vector_store %arg9[%swap3A_47, %swap3A_48], %swap3A_51 {strides = array<i32>} : memref<128x128xf32, #tpu.memory_space<vmem>>, vector<1x16xf32>,
      %broadcast_in_dim3A_52 = arith.constant 0.000000e+00 : f32
      %broadcast_in_dim3A_53 = vector.broadcast %broadcast_in_dim3A_52 : f32 to vector<16xf32>
      %swap3A_54 = arith.index_cast %scan3A_32 : i32 to index
      %swap3A_55 = arith.constant 48 : index
      %swap3A_56 = tpu.vector_load %arg9[%swap3A_54, %swap3A_55] {strides = array<i32>} : memref<128x128xf32, #tpu.memory_space<vmem>>, vector<1x16xf32>,
      %swap3A_57 = vector.shape_cast %swap3A_56 : vector<1x16xf32> to vector<16xf32>
      %swap3A_58 = vector.shape_cast %broadcast_in_dim3A_53 : vector<16xf32> to vector<1x16xf32>
      tpu.vector_store %arg9[%swap3A_54, %swap3A_55], %swap3A_58 {strides = array<i32>} : memref<128x128xf32, #tpu.memory_space<vmem>>, vector<1x16xf32>,
      %broadcast_in_dim3A_59 = arith.constant 0.000000e+00 : f32
      %broadcast_in_dim3A_60 = vector.broadcast %broadcast_in_dim3A_59 : f32 to vector<16xf32>
      %swap3A_61 = arith.index_cast %scan3A_32 : i32 to index
      %swap3A_62 = arith.constant 64 : index
      %swap3A_63 = tpu.vector_load %arg9[%swap3A_61, %swap3A_62] {strides = array<i32>} : memref<128x128xf32, #tpu.memory_space<vmem>>, vector<1x16xf32>,
      %swap3A_64 = vector.shape_cast %swap3A_63 : vector<1x16xf32> to vector<16xf32>
      %swap3A_65 = vector.shape_cast %broadcast_in_dim3A_60 : vector<16xf32> to vector<1x16xf32>
      tpu.vector_store %arg9[%swap3A_61, %swap3A_62], %swap3A_65 {strides = array<i32>} : memref<128x128xf32, #tpu.memory_space<vmem>>, vector<1x16xf32>,
      %broadcast_in_dim3A_66 = arith.constant 0.000000e+00 : f32
      %broadcast_in_dim3A_67 = vector.broadcast %broadcast_in_dim3A_66 : f32 to vector<16xf32>
      %swap3A_68 = arith.index_cast %scan3A_32 : i32 to index
      %swap3A_69 = arith.constant 80 : index
      %swap3A_70 = tpu.vector_load %arg9[%swap3A_68, %swap3A_69] {strides = array<i32>} : memref<128x128xf32, #tpu.memory_space<vmem>>, vector<1x16xf32>,
      %swap3A_71 = vector.shape_cast %swap3A_70 : vector<1x16xf32> to vector<16xf32>
      %swap3A_72 = vector.shape_cast %broadcast_in_dim3A_67 : vector<16xf32> to vector<1x16xf32>
      tpu.vector_store %arg9[%swap3A_68, %swap3A_69], %swap3A_72 {strides = array<i32>} : memref<128x128xf32, #tpu.memory_space<vmem>>, vector<1x16xf32>,
      %broadcast_in_dim3A_73 = arith.constant 0.000000e+00 : f32
      %broadcast_in_dim3A_74 = vector.broadcast %broadcast_in_dim3A_73 : f32 to vector<16xf32>
      %swap3A_75 = arith.index_cast %scan3A_32 : i32 to index
      %swap3A_76 = arith.constant 96 : index
      %swap3A_77 = tpu.vector_load %arg9[%swap3A_75, %swap3A_76] {strides = array<i32>} : memref<128x128xf32, #tpu.memory_space<vmem>>, vector<1x16xf32>,
      %swap3A_78 = vector.shape_cast %swap3A_77 : vector<1x16xf32> to vector<16xf32>
      %swap3A_79 = vector.shape_cast %broadcast_in_dim3A_74 : vector<16xf32> to vector<1x16xf32>
      tpu.vector_store %arg9[%swap3A_75, %swap3A_76], %swap3A_79 {strides = array<i32>} : memref<128x128xf32, #tpu.memory_space<vmem>>, vector<1x16xf32>,
      %broadcast_in_dim3A_80 = arith.constant 0.000000e+00 : f32
      %broadcast_in_dim3A_81 = vector.broadcast %broadcast_in_dim3A_80 : f32 to vector<16xf32>
      %swap3A_82 = arith.index_cast %scan3A_32 : i32 to index
      %swap3A_83 = arith.constant 112 : index
      %swap3A_84 = tpu.vector_load %arg9[%swap3A_82, %swap3A_83] {strides = array<i32>} : memref<128x128xf32, #tpu.memory_space<vmem>>, vector<1x16xf32>,
      %swap3A_85 = vector.shape_cast %swap3A_84 : vector<1x16xf32> to vector<16xf32>
      %swap3A_86 = vector.shape_cast %broadcast_in_dim3A_81 : vector<16xf32> to vector<1x16xf32>
      tpu.vector_store %arg9[%swap3A_82, %swap3A_83], %swap3A_86 {strides = array<i32>} : memref<128x128xf32, #tpu.memory_space<vmem>>, vector<1x16xf32>,
    }
    %scan3A_4 = arith.constant 128 : i32
    %mul3A_5 = arith.constant 640 : i32
    %mul3A_6 = arith.muli %arg1, %mul3A_5 : i32
    %add3A_7 = arith.constant 0 : i32
    %add3A_8 = arith.addi %mul3A_6, %add3A_7 : i32
    "tpu.region"() ({
      %run_scoped3A = tpu.sem_alloc : memref<!tpu.dma_semaphore, #tpu.memory_space<semaphore_mem>>
      %dma_start3A = arith.constant 0 : i32
      %dma_start3A_32 = tpu.memref_slice %arg8[%add3A_8, %dma_start3A] : memref<10240x128xf32, #tpu.memory_space<vmem_shared>> -> memref<128x128xf32, #tpu.memory_space<vmem_shared>>
      %dma_start3A_33 = arith.constant 0 : i32
      %dma_start3A_34 = tpu.memref_slice %arg8[%add3A_8, %dma_start3A_33] : memref<10240x128xf32, #tpu.memory_space<vmem_shared>> -> memref<128x128xf32, #tpu.memory_space<vmem_shared>>
      tpu.enqueue_dma source(%arg9 : memref<128x128xf32, #tpu.memory_space<vmem>>) target(%dma_start3A_34 : memref<128x128xf32, #tpu.memory_space<vmem_shared>>) target_semaphore(%run_scoped3A : memref<!tpu.dma_semaphore, #tpu.memory_space<semaphore_mem>>)
      %dma_wait3A = arith.constant 0 : i32
      %dma_wait3A_35 = tpu.memref_slice %arg8[%add3A_8, %dma_wait3A] : memref<10240x128xf32, #tpu.memory_space<vmem_shared>> -> memref<128x128xf32, #tpu.memory_space<vmem_shared>>
      %dma_wait3A_36 = arith.constant 0 : i32
      %dma_wait3A_37 = tpu.memref_slice %arg8[%add3A_8, %dma_wait3A_36] : memref<10240x128xf32, #tpu.memory_space<vmem_shared>> -> memref<128x128xf32, #tpu.memory_space<vmem_shared>>
      tpu.wait_dma2 semaphore(%run_scoped3A : memref<!tpu.dma_semaphore, #tpu.memory_space<semaphore_mem>>) src(%arg9 : memref<128x128xf32, #tpu.memory_space<vmem>>) dst(%dma_wait3A_37 : memref<128x128xf32, #tpu.memory_space<vmem_shared>>)
      tpu.yield
    }) : () -> ()
    %add3A_9 = arith.constant 128 : i32
    %add3A_10 = arith.addi %mul3A_6, %add3A_9 : i32
    "tpu.region"() ({
      %run_scoped3A = tpu.sem_alloc : memref<!tpu.dma_semaphore, #tpu.memory_space<semaphore_mem>>
      %dma_start3A = arith.constant 0 : i32
      %dma_start3A_32 = tpu.memref_slice %arg8[%add3A_10, %dma_start3A] : memref<10240x128xf32, #tpu.memory_space<vmem_shared>> -> memref<128x128xf32, #tpu.memory_space<vmem_shared>>
      %dma_start3A_33 = arith.constant 0 : i32
      %dma_start3A_34 = tpu.memref_slice %arg8[%add3A_10, %dma_start3A_33] : memref<10240x128xf32, #tpu.memory_space<vmem_shared>> -> memref<128x128xf32, #tpu.memory_space<vmem_shared>>
      tpu.enqueue_dma source(%arg9 : memref<128x128xf32, #tpu.memory_space<vmem>>) target(%dma_start3A_34 : memref<128x128xf32, #tpu.memory_space<vmem_shared>>) target_semaphore(%run_scoped3A : memref<!tpu.dma_semaphore, #tpu.memory_space<semaphore_mem>>)
      %dma_wait3A = arith.constant 0 : i32
      %dma_wait3A_35 = tpu.memref_slice %arg8[%add3A_10, %dma_wait3A] : memref<10240x128xf32, #tpu.memory_space<vmem_shared>> -> memref<128x128xf32, #tpu.memory_space<vmem_shared>>
      %dma_wait3A_36 = arith.constant 0 : i32
      %dma_wait3A_37 = tpu.memref_slice %arg8[%add3A_10, %dma_wait3A_36] : memref<10240x128xf32, #tpu.memory_space<vmem_shared>> -> memref<128x128xf32, #tpu.memory_space<vmem_shared>>
      tpu.wait_dma2 semaphore(%run_scoped3A : memref<!tpu.dma_semaphore, #tpu.memory_space<semaphore_mem>>) src(%arg9 : memref<128x128xf32, #tpu.memory_space<vmem>>) dst(%dma_wait3A_37 : memref<128x128xf32, #tpu.memory_space<vmem_shared>>)
      tpu.yield
    }) : () -> ()
    %add3A_11 = arith.constant 256 : i32
    %add3A_12 = arith.addi %mul3A_6, %add3A_11 : i32
    "tpu.region"() ({
      %run_scoped3A = tpu.sem_alloc : memref<!tpu.dma_semaphore, #tpu.memory_space<semaphore_mem>>
      %dma_start3A = arith.constant 0 : i32
      %dma_start3A_32 = tpu.memref_slice %arg8[%add3A_12, %dma_start3A] : memref<10240x128xf32, #tpu.memory_space<vmem_shared>> -> memref<128x128xf32, #tpu.memory_space<vmem_shared>>
      %dma_start3A_33 = arith.constant 0 : i32
      %dma_start3A_34 = tpu.memref_slice %arg8[%add3A_12, %dma_start3A_33] : memref<10240x128xf32, #tpu.memory_space<vmem_shared>> -> memref<128x128xf32, #tpu.memory_space<vmem_shared>>
      tpu.enqueue_dma source(%arg9 : memref<128x128xf32, #tpu.memory_space<vmem>>) target(%dma_start3A_34 : memref<128x128xf32, #tpu.memory_space<vmem_shared>>) target_semaphore(%run_scoped3A : memref<!tpu.dma_semaphore, #tpu.memory_space<semaphore_mem>>)
      %dma_wait3A = arith.constant 0 : i32
      %dma_wait3A_35 = tpu.memref_slice %arg8[%add3A_12, %dma_wait3A] : memref<10240x128xf32, #tpu.memory_space<vmem_shared>> -> memref<128x128xf32, #tpu.memory_space<vmem_shared>>
      %dma_wait3A_36 = arith.constant 0 : i32
      %dma_wait3A_37 = tpu.memref_slice %arg8[%add3A_12, %dma_wait3A_36] : memref<10240x128xf32, #tpu.memory_space<vmem_shared>> -> memref<128x128xf32, #tpu.memory_space<vmem_shared>>
      tpu.wait_dma2 semaphore(%run_scoped3A : memref<!tpu.dma_semaphore, #tpu.memory_space<semaphore_mem>>) src(%arg9 : memref<128x128xf32, #tpu.memory_space<vmem>>) dst(%dma_wait3A_37 : memref<128x128xf32, #tpu.memory_space<vmem_shared>>)
      tpu.yield
    }) : () -> ()
    %add3A_13 = arith.constant 384 : i32
    %add3A_14 = arith.addi %mul3A_6, %add3A_13 : i32
    "tpu.region"() ({
      %run_scoped3A = tpu.sem_alloc : memref<!tpu.dma_semaphore, #tpu.memory_space<semaphore_mem>>
      %dma_start3A = arith.constant 0 : i32
      %dma_start3A_32 = tpu.memref_slice %arg8[%add3A_14, %dma_start3A] : memref<10240x128xf32, #tpu.memory_space<vmem_shared>> -> memref<128x128xf32, #tpu.memory_space<vmem_shared>>
      %dma_start3A_33 = arith.constant 0 : i32
      %dma_start3A_34 = tpu.memref_slice %arg8[%add3A_14, %dma_start3A_33] : memref<10240x128xf32, #tpu.memory_space<vmem_shared>> -> memref<128x128xf32, #tpu.memory_space<vmem_shared>>
      tpu.enqueue_dma source(%arg9 : memref<128x128xf32, #tpu.memory_space<vmem>>) target(%dma_start3A_34 : memref<128x128xf32, #tpu.memory_space<vmem_shared>>) target_semaphore(%run_scoped3A : memref<!tpu.dma_semaphore, #tpu.memory_space<semaphore_mem>>)
      %dma_wait3A = arith.constant 0 : i32
      %dma_wait3A_35 = tpu.memref_slice %arg8[%add3A_14, %dma_wait3A] : memref<10240x128xf32, #tpu.memory_space<vmem_shared>> -> memref<128x128xf32, #tpu.memory_space<vmem_shared>>
      %dma_wait3A_36 = arith.constant 0 : i32
      %dma_wait3A_37 = tpu.memref_slice %arg8[%add3A_14, %dma_wait3A_36] : memref<10240x128xf32, #tpu.memory_space<vmem_shared>> -> memref<128x128xf32, #tpu.memory_space<vmem_shared>>
      tpu.wait_dma2 semaphore(%run_scoped3A : memref<!tpu.dma_semaphore, #tpu.memory_space<semaphore_mem>>) src(%arg9 : memref<128x128xf32, #tpu.memory_space<vmem>>) dst(%dma_wait3A_37 : memref<128x128xf32, #tpu.memory_space<vmem_shared>>)
      tpu.yield
    }) : () -> ()
    %add3A_15 = arith.constant 512 : i32
    %add3A_16 = arith.addi %mul3A_6, %add3A_15 : i32
    "tpu.region"() ({
      %run_scoped3A = tpu.sem_alloc : memref<!tpu.dma_semaphore, #tpu.memory_space<semaphore_mem>>
      %dma_start3A = arith.constant 0 : i32
      %dma_start3A_32 = tpu.memref_slice %arg8[%add3A_16, %dma_start3A] : memref<10240x128xf32, #tpu.memory_space<vmem_shared>> -> memref<128x128xf32, #tpu.memory_space<vmem_shared>>
      %dma_start3A_33 = arith.constant 0 : i32
      %dma_start3A_34 = tpu.memref_slice %arg8[%add3A_16, %dma_start3A_33] : memref<10240x128xf32, #tpu.memory_space<vmem_shared>> -> memref<128x128xf32, #tpu.memory_space<vmem_shared>>
      tpu.enqueue_dma source(%arg9 : memref<128x128xf32, #tpu.memory_space<vmem>>) target(%dma_start3A_34 : memref<128x128xf32, #tpu.memory_space<vmem_shared>>) target_semaphore(%run_scoped3A : memref<!tpu.dma_semaphore, #tpu.memory_space<semaphore_mem>>)
      %dma_wait3A = arith.constant 0 : i32
      %dma_wait3A_35 = tpu.memref_slice %arg8[%add3A_16, %dma_wait3A] : memref<10240x128xf32, #tpu.memory_space<vmem_shared>> -> memref<128x128xf32, #tpu.memory_space<vmem_shared>>
      %dma_wait3A_36 = arith.constant 0 : i32
      %dma_wait3A_37 = tpu.memref_slice %arg8[%add3A_16, %dma_wait3A_36] : memref<10240x128xf32, #tpu.memory_space<vmem_shared>> -> memref<128x128xf32, #tpu.memory_space<vmem_shared>>
      tpu.wait_dma2 semaphore(%run_scoped3A : memref<!tpu.dma_semaphore, #tpu.memory_space<semaphore_mem>>) src(%arg9 : memref<128x128xf32, #tpu.memory_space<vmem>>) dst(%dma_wait3A_37 : memref<128x128xf32, #tpu.memory_space<vmem_shared>>)
      tpu.yield
    }) : () -> ()
    %barrier3A = arith.constant 0 : index
    tpu.barrier barrier_id(%barrier3A)
    %mul3A_17 = arith.constant 10240 : i32
    %mul3A_18 = arith.muli %add3A, %mul3A_17 : i32
    %scan3A_19 = arith.constant 0 : i32
    %scan3A_20 = arith.constant 80 : i32
    %scan3A_21 = arith.addi %scan3A_19, %scan3A_20 : i32
    %scan3A_22 = arith.constant 1 : i32
    scf.for %scan3A_32 = %scan3A_19 to %scan3A_21 step %scan3A_22  : i32 {
      %mul3A_33 = arith.constant 128 : i32
      %mul3A_34 = arith.muli %scan3A_32, %mul3A_33 : i32
      %add3A_35 = arith.addi %mul3A_18, %mul3A_34 : i32
      %multiple_of3A = tpu.assume_multiple %add3A_35, 128 : i32
      "tpu.region"() ({
        %run_scoped3A = tpu.sem_alloc : memref<!tpu.dma_semaphore, #tpu.memory_space<semaphore_mem>>
        %dma_start3A_45 = tpu.memref_slice %arg4[%multiple_of3A] : memref<327680xi32, #tpu.memory_space<hbm>> -> memref<128xi32, #tpu.memory_space<hbm>>
        %dma_start3A_46 = tpu.memref_slice %arg4[%multiple_of3A] : memref<327680xi32, #tpu.memory_space<hbm>> -> memref<128xi32, #tpu.memory_space<hbm>>
        tpu.enqueue_dma source(%dma_start3A_46 : memref<128xi32, #tpu.memory_space<hbm>>) target(%arg10 : memref<128xi32, #tpu.memory_space<vmem>>) target_semaphore(%run_scoped3A : memref<!tpu.dma_semaphore, #tpu.memory_space<semaphore_mem>>)
        %dma_wait3A_47 = tpu.memref_slice %arg4[%multiple_of3A] : memref<327680xi32, #tpu.memory_space<hbm>> -> memref<128xi32, #tpu.memory_space<hbm>>
        %dma_wait3A_48 = tpu.memref_slice %arg4[%multiple_of3A] : memref<327680xi32, #tpu.memory_space<hbm>> -> memref<128xi32, #tpu.memory_space<hbm>>
        tpu.wait_dma2 semaphore(%run_scoped3A : memref<!tpu.dma_semaphore, #tpu.memory_space<semaphore_mem>>) src(%dma_wait3A_48 : memref<128xi32, #tpu.memory_space<hbm>>) dst(%arg10 : memref<128xi32, #tpu.memory_space<vmem>>)
        tpu.yield
      }) : () -> ()
      "tpu.region"() ({
        %run_scoped3A = tpu.sem_alloc : memref<!tpu.dma_semaphore, #tpu.memory_space<semaphore_mem>>
        %dma_start3A_45 = tpu.memref_slice %arg3[%multiple_of3A] : memref<327680xi32, #tpu.memory_space<hbm>> -> memref<128xi32, #tpu.memory_space<hbm>>
        %dma_start3A_46 = tpu.memref_slice %arg3[%multiple_of3A] : memref<327680xi32, #tpu.memory_space<hbm>> -> memref<128xi32, #tpu.memory_space<hbm>>
        tpu.enqueue_dma source(%dma_start3A_46 : memref<128xi32, #tpu.memory_space<hbm>>) target(%arg11 : memref<128xi32, #tpu.memory_space<vmem>>) target_semaphore(%run_scoped3A : memref<!tpu.dma_semaphore, #tpu.memory_space<semaphore_mem>>)
        %dma_wait3A_47 = tpu.memref_slice %arg3[%multiple_of3A] : memref<327680xi32, #tpu.memory_space<hbm>> -> memref<128xi32, #tpu.memory_space<hbm>>
        %dma_wait3A_48 = tpu.memref_slice %arg3[%multiple_of3A] : memref<327680xi32, #tpu.memory_space<hbm>> -> memref<128xi32, #tpu.memory_space<hbm>>
        tpu.wait_dma2 semaphore(%run_scoped3A : memref<!tpu.dma_semaphore, #tpu.memory_space<semaphore_mem>>) src(%dma_wait3A_48 : memref<128xi32, #tpu.memory_space<hbm>>) dst(%arg11 : memref<128xi32, #tpu.memory_space<vmem>>)
        tpu.yield
      }) : () -> ()
      "tpu.region"() ({
        %run_scoped3A = tpu.sem_alloc : memref<!tpu.dma_semaphore, #tpu.memory_space<semaphore_mem>>
        %dma_start3A_45 = arith.constant 0 : i32
        %dma_start3A_46 = tpu.memref_slice %arg5[%multiple_of3A, %dma_start3A_45] : memref<327680x16xf32, #tpu.memory_space<hbm>> -> memref<128x16xf32, #tpu.memory_space<hbm>>
        %dma_start3A_47 = arith.constant 0 : i32
        %dma_start3A_48 = tpu.memref_slice %arg5[%multiple_of3A, %dma_start3A_47] : memref<327680x16xf32, #tpu.memory_space<hbm>> -> memref<128x16xf32, #tpu.memory_space<hbm>>
        tpu.enqueue_dma source(%dma_start3A_48 : memref<128x16xf32, #tpu.memory_space<hbm>>) target(%arg12 : memref<128x16xf32, #tpu.memory_space<vmem>>) target_semaphore(%run_scoped3A : memref<!tpu.dma_semaphore, #tpu.memory_space<semaphore_mem>>)
        %dma_wait3A_49 = arith.constant 0 : i32
        %dma_wait3A_50 = tpu.memref_slice %arg5[%multiple_of3A, %dma_wait3A_49] : memref<327680x16xf32, #tpu.memory_space<hbm>> -> memref<128x16xf32, #tpu.memory_space<hbm>>
        %dma_wait3A_51 = arith.constant 0 : i32
        %dma_wait3A_52 = tpu.memref_slice %arg5[%multiple_of3A, %dma_wait3A_51] : memref<327680x16xf32, #tpu.memory_space<hbm>> -> memref<128x16xf32, #tpu.memory_space<hbm>>
        tpu.wait_dma2 semaphore(%run_scoped3A : memref<!tpu.dma_semaphore, #tpu.memory_space<semaphore_mem>>) src(%dma_wait3A_52 : memref<128x16xf32, #tpu.memory_space<hbm>>) dst(%arg12 : memref<128x16xf32, #tpu.memory_space<vmem>>)
        tpu.yield
      }) : () -> ()
      %dma_start3A = arith.constant 0 : i32
      %dma_start3A_36 = arith.constant 0 : i32
      %dma_start3A_37 = tpu.memref_slice %arg2[%dma_start3A, %dma_start3A_36] : memref<10000x128xf32, #tpu.memory_space<hbm>> -> memref<10000x128xf32, #tpu.memory_space<hbm>>
      tpu.enqueue_indirect_dma source(%dma_start3A_37 : memref<10000x128xf32, #tpu.memory_space<hbm>>) target(%arg9 : memref<128x128xf32, #tpu.memory_space<vmem>>) offsets(%arg10 : memref<128xi32, #tpu.memory_space<vmem>>) semaphore(%arg13 : memref<!tpu.dma_semaphore, #tpu.memory_space<semaphore_mem>>)
      %dma_wait3A = arith.constant 0 : i32
      %dma_wait3A_38 = arith.constant 0 : i32
      %dma_wait3A_39 = tpu.memref_slice %arg2[%dma_wait3A, %dma_wait3A_38] : memref<10000x128xf32, #tpu.memory_space<hbm>> -> memref<10000x128xf32, #tpu.memory_space<hbm>>
      tpu.wait_indirect_dma semaphore(%arg13 : memref<!tpu.dma_semaphore, #tpu.memory_space<semaphore_mem>>) src(%dma_wait3A_39 : memref<10000x128xf32, #tpu.memory_space<hbm>>) dst(%arg9 : memref<128x128xf32, #tpu.memory_space<vmem>>)
      %scan3A_40 = arith.constant 0 : i32
      %scan3A_41 = arith.constant 128 : i32
      %scan3A_42 = arith.addi %scan3A_40, %scan3A_41 : i32
      %scan3A_43 = arith.constant 1 : i32
      scf.for %scan3A_45 = %scan3A_40 to %scan3A_42 step %scan3A_43  : i32 {
        %get3A = arith.index_cast %scan3A_45 : i32 to index
        %get3A_46 = arith.constant 0 : index
        %get3A_47 = tpu.vector_load %arg12[%get3A, %get3A_46] {strides = array<i32>} : memref<128x16xf32, #tpu.memory_space<vmem>>, vector<1x16xf32>,
        %get3A_48 = vector.shape_cast %get3A_47 : vector<1x16xf32> to vector<16xf32>
        %get3A_49 = arith.index_cast %scan3A_45 : i32 to index
        %get3A_50 = arith.constant 0 : index
        %get3A_51 = tpu.vector_load %arg9[%get3A_49, %get3A_50] {strides = array<i32>} : memref<128x128xf32, #tpu.memory_space<vmem>>, vector<1x16xf32>,
        %get3A_52 = vector.shape_cast %get3A_51 : vector<1x16xf32> to vector<16xf32>
        %mul3A_53 = arith.mulf %get3A_52, %get3A_48 : vector<16xf32>
        %swap3A = arith.index_cast %scan3A_45 : i32 to index
        %swap3A_54 = arith.constant 0 : index
        %swap3A_55 = tpu.vector_load %arg9[%swap3A, %swap3A_54] {strides = array<i32>} : memref<128x128xf32, #tpu.memory_space<vmem>>, vector<1x16xf32>,
        %swap3A_56 = vector.shape_cast %swap3A_55 : vector<1x16xf32> to vector<16xf32>
        %swap3A_57 = vector.shape_cast %mul3A_53 : vector<16xf32> to vector<1x16xf32>
        tpu.vector_store %arg9[%swap3A, %swap3A_54], %swap3A_57 {strides = array<i32>} : memref<128x128xf32, #tpu.memory_space<vmem>>, vector<1x16xf32>,
        %get3A_58 = arith.index_cast %scan3A_45 : i32 to index
        %get3A_59 = arith.constant 16 : index
        %get3A_60 = tpu.vector_load %arg9[%get3A_58, %get3A_59] {strides = array<i32>} : memref<128x128xf32, #tpu.memory_space<vmem>>, vector<1x16xf32>,
        %get3A_61 = vector.shape_cast %get3A_60 : vector<1x16xf32> to vector<16xf32>
        %mul3A_62 = arith.mulf %get3A_61, %get3A_48 : vector<16xf32>
        %swap3A_63 = arith.index_cast %scan3A_45 : i32 to index
        %swap3A_64 = arith.constant 16 : index
        %swap3A_65 = tpu.vector_load %arg9[%swap3A_63, %swap3A_64] {strides = array<i32>} : memref<128x128xf32, #tpu.memory_space<vmem>>, vector<1x16xf32>,
        %swap3A_66 = vector.shape_cast %swap3A_65 : vector<1x16xf32> to vector<16xf32>
        %swap3A_67 = vector.shape_cast %mul3A_62 : vector<16xf32> to vector<1x16xf32>
        tpu.vector_store %arg9[%swap3A_63, %swap3A_64], %swap3A_67 {strides = array<i32>} : memref<128x128xf32, #tpu.memory_space<vmem>>, vector<1x16xf32>,
        %get3A_68 = arith.index_cast %scan3A_45 : i32 to index
        %get3A_69 = arith.constant 32 : index
        %get3A_70 = tpu.vector_load %arg9[%get3A_68, %get3A_69] {strides = array<i32>} : memref<128x128xf32, #tpu.memory_space<vmem>>, vector<1x16xf32>,
        %get3A_71 = vector.shape_cast %get3A_70 : vector<1x16xf32> to vector<16xf32>
        %mul3A_72 = arith.mulf %get3A_71, %get3A_48 : vector<16xf32>
        %swap3A_73 = arith.index_cast %scan3A_45 : i32 to index
        %swap3A_74 = arith.constant 32 : index
        %swap3A_75 = tpu.vector_load %arg9[%swap3A_73, %swap3A_74] {strides = array<i32>} : memref<128x128xf32, #tpu.memory_space<vmem>>, vector<1x16xf32>,
        %swap3A_76 = vector.shape_cast %swap3A_75 : vector<1x16xf32> to vector<16xf32>
        %swap3A_77 = vector.shape_cast %mul3A_72 : vector<16xf32> to vector<1x16xf32>
        tpu.vector_store %arg9[%swap3A_73, %swap3A_74], %swap3A_77 {strides = array<i32>} : memref<128x128xf32, #tpu.memory_space<vmem>>, vector<1x16xf32>,
        %get3A_78 = arith.index_cast %scan3A_45 : i32 to index
        %get3A_79 = arith.constant 48 : index
        %get3A_80 = tpu.vector_load %arg9[%get3A_78, %get3A_79] {strides = array<i32>} : memref<128x128xf32, #tpu.memory_space<vmem>>, vector<1x16xf32>,
        %get3A_81 = vector.shape_cast %get3A_80 : vector<1x16xf32> to vector<16xf32>
        %mul3A_82 = arith.mulf %get3A_81, %get3A_48 : vector<16xf32>
        %swap3A_83 = arith.index_cast %scan3A_45 : i32 to index
        %swap3A_84 = arith.constant 48 : index
        %swap3A_85 = tpu.vector_load %arg9[%swap3A_83, %swap3A_84] {strides = array<i32>} : memref<128x128xf32, #tpu.memory_space<vmem>>, vector<1x16xf32>,
        %swap3A_86 = vector.shape_cast %swap3A_85 : vector<1x16xf32> to vector<16xf32>
        %swap3A_87 = vector.shape_cast %mul3A_82 : vector<16xf32> to vector<1x16xf32>
        tpu.vector_store %arg9[%swap3A_83, %swap3A_84], %swap3A_87 {strides = array<i32>} : memref<128x128xf32, #tpu.memory_space<vmem>>, vector<1x16xf32>,
        %get3A_88 = arith.index_cast %scan3A_45 : i32 to index
        %get3A_89 = arith.constant 64 : index
        %get3A_90 = tpu.vector_load %arg9[%get3A_88, %get3A_89] {strides = array<i32>} : memref<128x128xf32, #tpu.memory_space<vmem>>, vector<1x16xf32>,
        %get3A_91 = vector.shape_cast %get3A_90 : vector<1x16xf32> to vector<16xf32>
        %mul3A_92 = arith.mulf %get3A_91, %get3A_48 : vector<16xf32>
        %swap3A_93 = arith.index_cast %scan3A_45 : i32 to index
        %swap3A_94 = arith.constant 64 : index
        %swap3A_95 = tpu.vector_load %arg9[%swap3A_93, %swap3A_94] {strides = array<i32>} : memref<128x128xf32, #tpu.memory_space<vmem>>, vector<1x16xf32>,
        %swap3A_96 = vector.shape_cast %swap3A_95 : vector<1x16xf32> to vector<16xf32>
        %swap3A_97 = vector.shape_cast %mul3A_92 : vector<16xf32> to vector<1x16xf32>
        tpu.vector_store %arg9[%swap3A_93, %swap3A_94], %swap3A_97 {strides = array<i32>} : memref<128x128xf32, #tpu.memory_space<vmem>>, vector<1x16xf32>,
        %get3A_98 = arith.index_cast %scan3A_45 : i32 to index
        %get3A_99 = arith.constant 80 : index
        %get3A_100 = tpu.vector_load %arg9[%get3A_98, %get3A_99] {strides = array<i32>} : memref<128x128xf32, #tpu.memory_space<vmem>>, vector<1x16xf32>,
        %get3A_101 = vector.shape_cast %get3A_100 : vector<1x16xf32> to vector<16xf32>
        %mul3A_102 = arith.mulf %get3A_101, %get3A_48 : vector<16xf32>
        %swap3A_103 = arith.index_cast %scan3A_45 : i32 to index
        %swap3A_104 = arith.constant 80 : index
        %swap3A_105 = tpu.vector_load %arg9[%swap3A_103, %swap3A_104] {strides = array<i32>} : memref<128x128xf32, #tpu.memory_space<vmem>>, vector<1x16xf32>,
        %swap3A_106 = vector.shape_cast %swap3A_105 : vector<1x16xf32> to vector<16xf32>
        %swap3A_107 = vector.shape_cast %mul3A_102 : vector<16xf32> to vector<1x16xf32>
        tpu.vector_store %arg9[%swap3A_103, %swap3A_104], %swap3A_107 {strides = array<i32>} : memref<128x128xf32, #tpu.memory_space<vmem>>, vector<1x16xf32>,
        %get3A_108 = arith.index_cast %scan3A_45 : i32 to index
        %get3A_109 = arith.constant 96 : index
        %get3A_110 = tpu.vector_load %arg9[%get3A_108, %get3A_109] {strides = array<i32>} : memref<128x128xf32, #tpu.memory_space<vmem>>, vector<1x16xf32>,
        %get3A_111 = vector.shape_cast %get3A_110 : vector<1x16xf32> to vector<16xf32>
        %mul3A_112 = arith.mulf %get3A_111, %get3A_48 : vector<16xf32>
        %swap3A_113 = arith.index_cast %scan3A_45 : i32 to index
        %swap3A_114 = arith.constant 96 : index
        %swap3A_115 = tpu.vector_load %arg9[%swap3A_113, %swap3A_114] {strides = array<i32>} : memref<128x128xf32, #tpu.memory_space<vmem>>, vector<1x16xf32>,
        %swap3A_116 = vector.shape_cast %swap3A_115 : vector<1x16xf32> to vector<16xf32>
        %swap3A_117 = vector.shape_cast %mul3A_112 : vector<16xf32> to vector<1x16xf32>
        tpu.vector_store %arg9[%swap3A_113, %swap3A_114], %swap3A_117 {strides = array<i32>} : memref<128x128xf32, #tpu.memory_space<vmem>>, vector<1x16xf32>,
        %get3A_118 = arith.index_cast %scan3A_45 : i32 to index
        %get3A_119 = arith.constant 112 : index
        %get3A_120 = tpu.vector_load %arg9[%get3A_118, %get3A_119] {strides = array<i32>} : memref<128x128xf32, #tpu.memory_space<vmem>>, vector<1x16xf32>,
        %get3A_121 = vector.shape_cast %get3A_120 : vector<1x16xf32> to vector<16xf32>
        %mul3A_122 = arith.mulf %get3A_121, %get3A_48 : vector<16xf32>
        %swap3A_123 = arith.index_cast %scan3A_45 : i32 to index
        %swap3A_124 = arith.constant 112 : index
        %swap3A_125 = tpu.vector_load %arg9[%swap3A_123, %swap3A_124] {strides = array<i32>} : memref<128x128xf32, #tpu.memory_space<vmem>>, vector<1x16xf32>,
        %swap3A_126 = vector.shape_cast %swap3A_125 : vector<1x16xf32> to vector<16xf32>
        %swap3A_127 = vector.shape_cast %mul3A_122 : vector<16xf32> to vector<1x16xf32>
        tpu.vector_store %arg9[%swap3A_123, %swap3A_124], %swap3A_127 {strides = array<i32>} : memref<128x128xf32, #tpu.memory_space<vmem>>, vector<1x16xf32>,
      }
      %scan3A_44 = arith.constant 128 : i32
      "tpu.region"() ({
        %run_scoped3A = tpu.sem_alloc : memref<!tpu.dma_semaphore, #tpu.memory_space<semaphore_mem>>
        %dma_start3A_45 = arith.constant 0 : i32
        %dma_start3A_46 = arith.constant 0 : i32
        %dma_start3A_47 = tpu.memref_slice %arg8[%dma_start3A_45, %dma_start3A_46] : memref<10240x128xf32, #tpu.memory_space<vmem_shared>> -> memref<10240x128xf32, #tpu.memory_space<vmem_shared>>
        tpu.enqueue_indirect_dma source(%arg9 : memref<128x128xf32, #tpu.memory_space<vmem>>) target(%dma_start3A_47 : memref<10240x128xf32, #tpu.memory_space<vmem_shared>>) offsets(%arg11 : memref<128xi32, #tpu.memory_space<vmem>>) semaphore(%run_scoped3A : memref<!tpu.dma_semaphore, #tpu.memory_space<semaphore_mem>>) {add = true}
        %dma_wait3A_48 = arith.constant 0 : i32
        %dma_wait3A_49 = arith.constant 0 : i32
        %dma_wait3A_50 = tpu.memref_slice %arg8[%dma_wait3A_48, %dma_wait3A_49] : memref<10240x128xf32, #tpu.memory_space<vmem_shared>> -> memref<10240x128xf32, #tpu.memory_space<vmem_shared>>
        tpu.wait_indirect_dma semaphore(%run_scoped3A : memref<!tpu.dma_semaphore, #tpu.memory_space<semaphore_mem>>) src(%arg9 : memref<128x128xf32, #tpu.memory_space<vmem>>) dst(%dma_wait3A_50 : memref<10240x128xf32, #tpu.memory_space<vmem_shared>>)
        tpu.yield
      }) : () -> ()
    }
    %scan3A_23 = arith.constant 80 : i32
    %barrier3A_24 = arith.constant 0 : index
    tpu.barrier barrier_id(%barrier3A_24)
    %eq3A = arith.constant 0 : i32
    %eq3A_25 = arith.cmpi eq, %arg0, %eq3A : i32
    %convert_element_type3A = arith.extui %eq3A_25 : i1 to i32
    %cond3A = arith.constant 0 : i32
    %cond3A_26 = arith.cmpi ne, %convert_element_type3A, %cond3A : i32
    scf.if %cond3A_26 {
      "tpu.region"() ({
        %run_scoped3A = tpu.sem_alloc : memref<!tpu.dma_semaphore, #tpu.memory_space<semaphore_mem>>
        %dma_start3A = arith.constant 0 : i32
        %dma_start3A_32 = tpu.memref_slice %arg6[%mul3A_6, %dma_start3A] : memref<10240x128xf32, #tpu.memory_space<hbm>> -> memref<640x128xf32, #tpu.memory_space<hbm>>
        %dma_start3A_33 = arith.constant 0 : i32
        %dma_start3A_34 = tpu.memref_slice %arg8[%mul3A_6, %dma_start3A_33] : memref<10240x128xf32, #tpu.memory_space<vmem_shared>> -> memref<640x128xf32, #tpu.memory_space<vmem_shared>>
        tpu.enqueue_dma source(%dma_start3A_34 : memref<640x128xf32, #tpu.memory_space<vmem_shared>>) target(%dma_start3A_32 : memref<640x128xf32, #tpu.memory_space<hbm>>) target_semaphore(%run_scoped3A : memref<!tpu.dma_semaphore, #tpu.memory_space<semaphore_mem>>)
        %dma_wait3A = arith.constant 0 : i32
        %dma_wait3A_35 = tpu.memref_slice %arg6[%mul3A_6, %dma_wait3A] : memref<10240x128xf32, #tpu.memory_space<hbm>> -> memref<640x128xf32, #tpu.memory_space<hbm>>
        %dma_wait3A_36 = arith.constant 0 : i32
        %dma_wait3A_37 = tpu.memref_slice %arg8[%mul3A_6, %dma_wait3A_36] : memref<10240x128xf32, #tpu.memory_space<vmem_shared>> -> memref<640x128xf32, #tpu.memory_space<vmem_shared>>
        tpu.wait_dma2 semaphore(%run_scoped3A : memref<!tpu.dma_semaphore, #tpu.memory_space<semaphore_mem>>) src(%dma_wait3A_37 : memref<640x128xf32, #tpu.memory_space<vmem_shared>>) dst(%dma_wait3A_35 : memref<640x128xf32, #tpu.memory_space<hbm>>)
        tpu.yield
      }) : () -> ()
    } else {
    }
    %eq3A_27 = arith.constant 1 : i32
    %eq3A_28 = arith.cmpi eq, %arg0, %eq3A_27 : i32
    %convert_element_type3A_29 = arith.extui %eq3A_28 : i1 to i32
    %cond3A_30 = arith.constant 0 : i32
    %cond3A_31 = arith.cmpi ne, %convert_element_type3A_29, %cond3A_30 : i32
    scf.if %cond3A_31 {
      "tpu.region"() ({
        %run_scoped3A = tpu.sem_alloc : memref<!tpu.dma_semaphore, #tpu.memory_space<semaphore_mem>>
        %dma_start3A = arith.constant 0 : i32
        %dma_start3A_32 = tpu.memref_slice %arg7[%mul3A_6, %dma_start3A] : memref<10240x128xf32, #tpu.memory_space<hbm>> -> memref<640x128xf32, #tpu.memory_space<hbm>>
        %dma_start3A_33 = arith.constant 0 : i32
        %dma_start3A_34 = tpu.memref_slice %arg8[%mul3A_6, %dma_start3A_33] : memref<10240x128xf32, #tpu.memory_space<vmem_shared>> -> memref<640x128xf32, #tpu.memory_space<vmem_shared>>
        tpu.enqueue_dma source(%dma_start3A_34 : memref<640x128xf32, #tpu.memory_space<vmem_shared>>) target(%dma_start3A_32 : memref<640x128xf32, #tpu.memory_space<hbm>>) target_semaphore(%run_scoped3A : memref<!tpu.dma_semaphore, #tpu.memory_space<semaphore_mem>>)
        %dma_wait3A = arith.constant 0 : i32
        %dma_wait3A_35 = tpu.memref_slice %arg7[%mul3A_6, %dma_wait3A] : memref<10240x128xf32, #tpu.memory_space<hbm>> -> memref<640x128xf32, #tpu.memory_space<hbm>>
        %dma_wait3A_36 = arith.constant 0 : i32
        %dma_wait3A_37 = tpu.memref_slice %arg8[%mul3A_6, %dma_wait3A_36] : memref<10240x128xf32, #tpu.memory_space<vmem_shared>> -> memref<640x128xf32, #tpu.memory_space<vmem_shared>>
        tpu.wait_dma2 semaphore(%run_scoped3A : memref<!tpu.dma_semaphore, #tpu.memory_space<semaphore_mem>>) src(%dma_wait3A_37 : memref<640x128xf32, #tpu.memory_space<vmem_shared>>) dst(%dma_wait3A_35 : memref<640x128xf32, #tpu.memory_space<hbm>>)
        tpu.yield
      }) : () -> ()
    } else {
    }
    return
  }
}

module attributes {stable_mosaic.version = 14 : i64} {
  func.func @_logmap0_body(%arg0: i32, %arg1: memref<1000x128xf32, #tpu.memory_space<vmem>>, %arg2: memref<1000x128xf32, #tpu.memory_space<vmem>>) attributes {dimension_semantics = [#tpu.dimension_semantics<arbitrary>], iteration_bounds = array<i64: 10>, scalar_prefetch = 0 : i64, scratch_operands = 0 : i64, tpu.core_type = #tpu.core_type<tc>, window_params = [{transform_indices = @transform_0, window_bounds = array<i64: 1000, 128>}, {transform_indices = @transform_1, window_bounds = array<i64: 1000, 128>}]} {
    %get3A = arith.constant 0 : index
    %get3A_0 = arith.constant 0 : index
    %get3A_1 = vector.load %arg1[%get3A, %get3A_0] : memref<1000x128xf32, #tpu.memory_space<vmem>>, vector<1000x128xf32>
    %mul3A = arith.mulf %get3A_1, %get3A_1 : vector<1000x128xf32>
    %reduce_sum3A = arith.constant dense<0.000000e+00> : vector<1000xf32>
    %reduce_sum3A_2 = vector.multi_reduction <add>, %mul3A, %reduce_sum3A [1] : vector<1000x128xf32> to vector<1000xf32>
    %broadcast_in_dim3A = vector.shape_cast %reduce_sum3A_2 : vector<1000xf32> to vector<1000x1xf32>
    %sqrt3A = math.sqrt %broadcast_in_dim3A : vector<1000x1xf32>
    %max3A = arith.constant 1.000000e-15 : f32
    %max3A_3 = vector.broadcast %max3A : f32 to vector<1000x1xf32>
    %max3A_4 = arith.maximumf %sqrt3A, %max3A_3 : vector<1000x1xf32>
    %jit3A = arith.constant -0.99999988 : f32
    %jit3A_5 = arith.constant 0.99999988 : f32
    %max3A_6 = vector.broadcast %jit3A : f32 to vector<1000x1xf32>
    %max3A_7 = arith.maximumf %max3A_6, %max3A_4 : vector<1000x1xf32>
    %min3A = vector.broadcast %jit3A_5 : f32 to vector<1000x1xf32>
    %min3A_8 = arith.minimumf %min3A, %max3A_7 : vector<1000x1xf32>
    %add3A = arith.constant 1.000000e+00 : f32
    %add3A_9 = vector.broadcast %add3A : f32 to vector<1000x1xf32>
    %add3A_10 = arith.addf %add3A_9, %min3A_8 : vector<1000x1xf32>
    %sub3A = arith.constant 1.000000e+00 : f32
    %sub3A_11 = vector.broadcast %sub3A : f32 to vector<1000x1xf32>
    %sub3A_12 = arith.subf %sub3A_11, %min3A_8 : vector<1000x1xf32>
    %div3A = arith.divf %add3A_10, %sub3A_12 : vector<1000x1xf32>
    %log3A = math.log %div3A : vector<1000x1xf32>
    %mul3A_13 = arith.constant 5.000000e-01 : f32
    %mul3A_14 = vector.broadcast %mul3A_13 : f32 to vector<1000x1xf32>
    %mul3A_15 = arith.mulf %mul3A_14, %log3A : vector<1000x1xf32>
    %div3A_16 = arith.divf %mul3A_15, %max3A_4 : vector<1000x1xf32>
    %mul3A_17 = vector.broadcast %div3A_16 : vector<1000x1xf32> to vector<1000x128xf32>
    %mul3A_18 = arith.mulf %mul3A_17, %get3A_1 : vector<1000x128xf32>
    %swap3A = arith.constant 0 : index
    %swap3A_19 = arith.constant 0 : index
    %swap3A_20 = vector.load %arg2[%swap3A, %swap3A_19] : memref<1000x128xf32, #tpu.memory_space<vmem>>, vector<1000x128xf32>
    tpu.vector_store %arg2[%swap3A, %swap3A_19], %mul3A_18 {strides = array<i32>} : memref<1000x128xf32, #tpu.memory_space<vmem>>, vector<1000x128xf32>,
    return
  }
  func.func @transform_0(%arg0: i32) -> (i32, i32) {
    %c0_i32 = arith.constant 0 : i32
    %c0_i32_0 = arith.constant 0 : i32
    return %arg0, %c0_i32 : i32, i32
  }
  func.func @transform_1(%arg0: i32) -> (i32, i32) {
    %c0_i32 = arith.constant 0 : i32
    %c0_i32_0 = arith.constant 0 : i32
    return %arg0, %c0_i32 : i32, i32
  }
}

module attributes {stable_mosaic.version = 14 : i64} {
  func.func @_add2_body(%arg0: i32, %arg1: memref<1000x128xf32, #tpu.memory_space<vmem>>, %arg2: memref<1000x128xf32, #tpu.memory_space<vmem>>, %arg3: memref<1000x128xf32, #tpu.memory_space<vmem>>) attributes {dimension_semantics = [#tpu.dimension_semantics<arbitrary>], iteration_bounds = array<i64: 10>, scalar_prefetch = 0 : i64, scratch_operands = 0 : i64, tpu.core_type = #tpu.core_type<tc>, window_params = [{transform_indices = @transform_0, window_bounds = array<i64: 1000, 128>}, {transform_indices = @transform_1, window_bounds = array<i64: 1000, 128>}, {transform_indices = @transform_2, window_bounds = array<i64: 1000, 128>}]} {
    %get3A = arith.constant 0 : index
    %get3A_0 = arith.constant 0 : index
    %get3A_1 = vector.load %arg1[%get3A, %get3A_0] : memref<1000x128xf32, #tpu.memory_space<vmem>>, vector<1000x128xf32>
    %get3A_2 = arith.constant 0 : index
    %get3A_3 = arith.constant 0 : index
    %get3A_4 = vector.load %arg2[%get3A_2, %get3A_3] : memref<1000x128xf32, #tpu.memory_space<vmem>>, vector<1000x128xf32>
    %add3A = arith.addf %get3A_1, %get3A_4 : vector<1000x128xf32>
    %swap3A = arith.constant 0 : index
    %swap3A_5 = arith.constant 0 : index
    %swap3A_6 = vector.load %arg3[%swap3A, %swap3A_5] : memref<1000x128xf32, #tpu.memory_space<vmem>>, vector<1000x128xf32>
    tpu.vector_store %arg3[%swap3A, %swap3A_5], %add3A {strides = array<i32>} : memref<1000x128xf32, #tpu.memory_space<vmem>>, vector<1000x128xf32>,
    return
  }
  func.func @transform_0(%arg0: i32) -> (i32, i32) {
    %c0_i32 = arith.constant 0 : i32
    %c0_i32_0 = arith.constant 0 : i32
    return %arg0, %c0_i32 : i32, i32
  }
  func.func @transform_1(%arg0: i32) -> (i32, i32) {
    %c0_i32 = arith.constant 0 : i32
    %c0_i32_0 = arith.constant 0 : i32
    return %arg0, %c0_i32 : i32, i32
  }
  func.func @transform_2(%arg0: i32) -> (i32, i32) {
    %c0_i32 = arith.constant 0 : i32
    %c0_i32_0 = arith.constant 0 : i32
    return %arg0, %c0_i32 : i32, i32
  }
}

module attributes {stable_mosaic.version = 14 : i64} {
  func.func @_final_body(%arg0: i32, %arg1: memref<1000x128xf32, #tpu.memory_space<vmem>>, %arg2: memref<1000x128xf32, #tpu.memory_space<vmem>>, %arg3: memref<1000x128xf32, #tpu.memory_space<vmem>>, %arg4: memref<1000x128xf32, #tpu.memory_space<vmem>>) attributes {dimension_semantics = [#tpu.dimension_semantics<arbitrary>], iteration_bounds = array<i64: 10>, scalar_prefetch = 0 : i64, scratch_operands = 0 : i64, tpu.core_type = #tpu.core_type<tc>, window_params = [{transform_indices = @transform_0, window_bounds = array<i64: 1000, 128>}, {transform_indices = @transform_1, window_bounds = array<i64: 1000, 128>}, {transform_indices = @transform_2, window_bounds = array<i64: 1000, 128>}, {transform_indices = @transform_3, window_bounds = array<i64: 1000, 128>}]} {
    %get3A = arith.constant 0 : index
    %get3A_0 = arith.constant 0 : index
    %get3A_1 = vector.load %arg1[%get3A, %get3A_0] : memref<1000x128xf32, #tpu.memory_space<vmem>>, vector<1000x128xf32>
    %get3A_2 = arith.constant 0 : index
    %get3A_3 = arith.constant 0 : index
    %get3A_4 = vector.load %arg2[%get3A_2, %get3A_3] : memref<1000x128xf32, #tpu.memory_space<vmem>>, vector<1000x128xf32>
    %add3A = arith.addf %get3A_1, %get3A_4 : vector<1000x128xf32>
    %get3A_5 = arith.constant 0 : index
    %get3A_6 = arith.constant 0 : index
    %get3A_7 = vector.load %arg3[%get3A_5, %get3A_6] : memref<1000x128xf32, #tpu.memory_space<vmem>>, vector<1000x128xf32>
    %add3A_8 = arith.addf %add3A, %get3A_7 : vector<1000x128xf32>
    %mul3A = arith.mulf %add3A_8, %add3A_8 : vector<1000x128xf32>
    %reduce_sum3A = arith.constant dense<0.000000e+00> : vector<1000xf32>
    %reduce_sum3A_9 = vector.multi_reduction <add>, %mul3A, %reduce_sum3A [1] : vector<1000x128xf32> to vector<1000xf32>
    %broadcast_in_dim3A = vector.shape_cast %reduce_sum3A_9 : vector<1000xf32> to vector<1000x1xf32>
    %sqrt3A = math.sqrt %broadcast_in_dim3A : vector<1000x1xf32>
    %max3A = arith.constant 1.000000e-15 : f32
    %max3A_10 = vector.broadcast %max3A : f32 to vector<1000x1xf32>
    %max3A_11 = arith.maximumf %sqrt3A, %max3A_10 : vector<1000x1xf32>
    %tanh3A = math.tanh %max3A_11 : vector<1000x1xf32>
    %mul3A_12 = vector.broadcast %tanh3A : vector<1000x1xf32> to vector<1000x128xf32>
    %mul3A_13 = arith.mulf %mul3A_12, %add3A_8 : vector<1000x128xf32>
    %div3A = vector.broadcast %max3A_11 : vector<1000x1xf32> to vector<1000x128xf32>
    %div3A_14 = arith.divf %mul3A_13, %div3A : vector<1000x128xf32>
    %mul3A_15 = arith.mulf %div3A_14, %div3A_14 : vector<1000x128xf32>
    %reduce_sum3A_16 = arith.constant dense<0.000000e+00> : vector<1000xf32>
    %reduce_sum3A_17 = vector.multi_reduction <add>, %mul3A_15, %reduce_sum3A_16 [1] : vector<1000x128xf32> to vector<1000xf32>
    %broadcast_in_dim3A_18 = vector.shape_cast %reduce_sum3A_17 : vector<1000xf32> to vector<1000x1xf32>
    %sqrt3A_19 = math.sqrt %broadcast_in_dim3A_18 : vector<1000x1xf32>
    %max3A_20 = arith.constant 1.000000e-15 : f32
    %max3A_21 = vector.broadcast %max3A_20 : f32 to vector<1000x1xf32>
    %max3A_22 = arith.maximumf %sqrt3A_19, %max3A_21 : vector<1000x1xf32>
    %gt3A = arith.constant 0.995999991 : f32
    %gt3A_23 = vector.broadcast %gt3A : f32 to vector<1000x1xf32>
    %gt3A_24 = arith.cmpf ogt, %max3A_22, %gt3A_23 : vector<1000x1xf32>
    %div3A_25 = vector.broadcast %max3A_22 : vector<1000x1xf32> to vector<1000x128xf32>
    %div3A_26 = arith.divf %div3A_14, %div3A_25 : vector<1000x128xf32>
    %mul3A_27 = arith.constant 0.995999991 : f32
    %mul3A_28 = vector.broadcast %mul3A_27 : f32 to vector<1000x128xf32>
    %mul3A_29 = arith.mulf %div3A_26, %mul3A_28 : vector<1000x128xf32>
    %broadcast_in_dim3A_30 = vector.shape_cast %gt3A_24 : vector<1000x1xi1> to vector<1000x1xi1>
    %broadcast_in_dim3A_31 = vector.broadcast %broadcast_in_dim3A_30 : vector<1000x1xi1> to vector<1000x128xi1>
    %select_n3A = arith.select %broadcast_in_dim3A_31, %mul3A_29, %div3A_14 : vector<1000x128xi1>, vector<1000x128xf32>
    %swap3A = arith.constant 0 : index
    %swap3A_32 = arith.constant 0 : index
    %swap3A_33 = vector.load %arg4[%swap3A, %swap3A_32] : memref<1000x128xf32, #tpu.memory_space<vmem>>, vector<1000x128xf32>
    tpu.vector_store %arg4[%swap3A, %swap3A_32], %select_n3A {strides = array<i32>} : memref<1000x128xf32, #tpu.memory_space<vmem>>, vector<1000x128xf32>,
    return
  }
  func.func @transform_0(%arg0: i32) -> (i32, i32) {
    %c0_i32 = arith.constant 0 : i32
    %c0_i32_0 = arith.constant 0 : i32
    return %arg0, %c0_i32 : i32, i32
  }
  func.func @transform_1(%arg0: i32) -> (i32, i32) {
    %c0_i32 = arith.constant 0 : i32
    %c0_i32_0 = arith.constant 0 : i32
    return %arg0, %c0_i32 : i32, i32
  }
  func.func @transform_2(%arg0: i32) -> (i32, i32) {
    %c0_i32 = arith.constant 0 : i32
    %c0_i32_0 = arith.constant 0 : i32
    return %arg0, %c0_i32 : i32, i32
  }
  func.func @transform_3(%arg0: i32) -> (i32, i32) {
    %c0_i32 = arith.constant 0 : i32
    %c0_i32_0 = arith.constant 0 : i32
    return %arg0, %c0_i32 : i32, i32
  }
}

</mosaic_0001>

<sc_bundles>
// kernel: kernel.10.cloned.1.call-start
scs
__scs_entry_jumppad:
0x0: {  	(pc) =	sbr.rel $0x88, $3  }
0x1: {  	(tag) =	ssettag $0x0;
	lr =	simm.s32 $0x1  }
0x2: {  	[smem:$0x3F9E] =	sst lr;
	_ =	strace $0xD0000000  }
0x3: {  	_ = 	snop  }
0x4: {  	_ = 	snop  }
0x5: {  	_ = 	snop  }
0x6: {  	_ = 	snop  }
0x7: {  	_ = 	snop  }
__scs_overlays_trampoline_lowered:
0x8: {  	[smem:$0x3FAD] =	sst s0  }
0x9: {  	[smem:$0x3FAE] =	sst s1  }
0xa: {  	[smem:$0x3FAF] =	sst s2  }
0xb: {  	[smem:$0x3FB0] =	sst s3  }
0xc: {  	[smem:$0x3FB1] =	sst s4  }
0xd: {  	[smem:$0x3FB2] =	sst s5  }
0xe: {  	[smem:$0x3FB3] =	sst s6  }
0xf: {  	[smem:$0x3FB4] =	sst s7  }
0x10: {  	[smem:$0x3FB5] =	sst s8  }
0x11: {  	[smem:$0x3FB6] =	sst s9;
	s0 =	simm.s32 @!p0 $0x0  }
0x12: {  	s1 =	sld [smem:$0x3F9C];
	s0 =	simm.s32 @p0 $0x1  }
0x13: {  	[smem:$0x3FB7] =	sst s0;
	s0 =	simm.s32 @!p1 $0x0  }
0x14: {  	s2 =	sld [smem:$0x3F9B];
	s0 =	simm.s32 @p1 $0x1  }
0x15: {  	[smem:$0x3FB8] =	sst s0;
	s0 =	simm.s32 @!p2 $0x0  }
0x16: {  	s3 =	sld [smem:$0x3FDB];
	s0 =	simm.s32 @p2 $0x1  }
0x17: {  	s4 =	simm.s32 $0x1BF5;
	[smem:$0x3FBA] =	sst s0  }
0x18: {  	s0 =	sld [smem:$0x3F9D];
	_ =	swait.ge [sflag:s4], $0x0  }
0x19: {  	s7 =	sld [smem:$0x3F9E]  }
0x1a: {  	s8 =	sadd.s32 $0xFFFFE003, lr  }
0x1b: {  	s9 =	sadd.s32 $0xFFFFFEF7, lr;
	s5 =	simm.s32 $0xFFFFFFFF;
	p2 =	slt.u32 s8, $0xFFFFF086  }
0x1c: {  	p1 =	slt.u32 s9, $0xF7A;
	s5 =	simm.s32 @!p2 $0x0  }
0x1d: {  	s5 =	simm.s32 @p1 $0x1;
	p0 =	seq.s32 s7, s2  }
0x1e: {  	s7 =	smul.u32 @!p0 $0xF7A, s2;
	p2 =	seq.s32 @!p0 s5, $0x0  }
0x1f: {  	s9 =	smul.u32 $0xF7A, s1;
	s8 =	simm.s32 @!p0 $0x1BF5;
	p2 =	por !p2, p0  }
0x20: {  	[sflag:s8] =	ssyncset.s32 @!p0 $0xFFFFF086;
	s6 =	sadd.s32 @!p0 s3, s7;
	s7 =	simm.s32 @!p0 $0x108  }
0x21: {  	s3 =	sadd.s32 s3, s9;
	s6 =	sadd.s32 @!p0 $0x88, s6;
	s7 =	simm.s32 @p2 $0x1082  }
0x22: {  	[simem:s7], [sflag:s8] =	dma.local @!p0 [hbm:s6], $0xF7A  }
0x23: {  	s9 =	sor.u32 $0xD0000000, s2;
	s6 =	simm.s32 $0x108;
	_ =	swait.ge @!p0 [sflag:s8], $0x0  }
0x24: {  	s3 =	sadd.s32 $0x88, s3;
	s6 =	simm.s32 @!p1 $0x1082;
	[sflag:s4] =	ssyncset.s32 $0xFFFFF086  }
0x25: {  	[simem:s6], [sflag:s4] =	dma.local [hbm:s3], $0xF7A  }
0x26: {  	[smem:$0x3F9E] =	sst s1;
	(tag) =	ssettag s2;
	_ =	strace s9  }
0x27: {  	s1 =	sld [smem:$0x3FAE]  }
0x28: {  	s2 =	sld [smem:$0x3FAF]  }
0x29: {  	s4 =	sld [smem:$0x3FB1]  }
0x2a: {  	p0 =	seq.s32 s5, $0x0;
	s5 =	sld [smem:$0x3FB2]  }
0x2b: {  	s6 =	sld [smem:$0x3FB3]  }
0x2c: {  	s7 =	sld [smem:$0x3FB4]  }
0x2d: {  	s3 =	simm.s32 $0x108;
	s8 =	sld [smem:$0x3FB5]  }
0x2e: {  	s3 =	simm.s32 @!p0 $0x1082;
	s9 =	sld [smem:$0x3FB6]  }
0x2f: {  	lr =	sadd.s32 s0, s3;
	s0 =	sld [smem:$0x3FAD]  }
0x30: {  	s3 =	sld [smem:$0x3FB0]  }
0x31: {  	[smem:$0x3FB9] =	sst s10  }
0x32: {  	s10 =	sld [smem:$0x3FB7];
	_ =	sdelay $0x3  }
0x33: {  	p0 =	seq.s32 s10, $0x1;
	s10 =	sld [smem:$0x3FB9];
	_ =	sdelay $0x3  }
0x34: {  	[smem:$0x3FB9] =	sst s10  }
0x35: {  	s10 =	sld [smem:$0x3FB8];
	_ =	sdelay $0x3  }
0x36: {  	p1 =	seq.s32 s10, $0x1;
	s10 =	sld [smem:$0x3FB9];
	_ =	sdelay $0x3  }
0x37: {  	[smem:$0x3FB9] =	sst s10  }
0x38: {  	s10 =	sld [smem:$0x3FBA]  }
0x39: {  	_ = 	snop;
	(pc) =	sbr.ind lr, $3  }
0x3a: {  	_ = 	snop  }
0x3b: {  	_ = 	snop  }
0x3c: {  	p2 =	seq.s32 s10, $0x1;
	s10 =	sld [smem:$0x3FB9]  }
0x3d: {  	_ =	shalt  }
0x3e: {  	_ =	shalt  }
0x3f: {  	_ =	shalt  }
0x40: {  	_ =	shalt  }
0x41: {  	_ =	shalt  }
0x42: {  	_ =	shalt  }
0x43: {  	_ =	shalt  }
0x44: {  	_ =	shalt  }
0x45: {  	_ =	shalt  }
0x46: {  	_ =	shalt  }
0x47: {  	_ =	shalt  }
0x48: {  	_ =	shalt  }
0x49: {  	_ =	shalt  }
0x4a: {  	_ =	shalt  }
0x4b: {  	_ =	shalt  }
0x4c: {  	_ =	shalt  }
0x4d: {  	_ =	shalt  }
0x4e: {  	_ =	shalt  }
0x4f: {  	_ =	shalt  }
0x50: {  	_ =	shalt  }
0x51: {  	_ =	shalt  }
0x52: {  	_ =	shalt  }
0x53: {  	_ =	shalt  }
0x54: {  	_ =	shalt  }
0x55: {  	_ =	shalt  }
0x56: {  	_ =	shalt  }
0x57: {  	_ =	shalt  }
0x58: {  	_ =	shalt  }
0x59: {  	_ =	shalt  }
0x5a: {  	_ =	shalt  }
0x5b: {  	_ =	shalt  }
0x5c: {  	_ =	shalt  }
0x5d: {  	_ =	shalt  }
0x5e: {  	_ =	shalt  }
0x5f: {  	_ =	shalt  }
0x60: {  	_ =	shalt  }
0x61: {  	_ =	shalt  }
0x62: {  	_ =	shalt  }
0x63: {  	_ =	shalt  }
0x64: {  	_ =	shalt  }
0x65: {  	_ =	shalt  }
0x66: {  	_ =	shalt  }
0x67: {  	_ =	shalt  }
0x68: {  	_ =	shalt  }
0x69: {  	_ =	shalt  }
0x6a: {  	_ =	shalt  }
0x6b: {  	_ =	shalt  }
0x6c: {  	_ =	shalt  }
0x6d: {  	_ =	shalt  }
0x6e: {  	_ =	shalt  }
0x6f: {  	_ =	shalt  }
0x70: {  	_ =	shalt  }
0x71: {  	_ =	shalt  }
0x72: {  	_ =	shalt  }
0x73: {  	_ =	shalt  }
0x74: {  	_ =	shalt  }
0x75: {  	_ =	shalt  }
0x76: {  	_ =	shalt  }
0x77: {  	_ =	shalt  }
0x78: {  	_ =	shalt  }
0x79: {  	_ =	shalt  }
0x7a: {  	_ =	shalt  }
0x7b: {  	_ =	shalt  }
0x7c: {  	_ =	shalt  }
0x7d: {  	_ =	shalt  }
0x7e: {  	_ =	shalt  }
0x7f: {  	_ =	shalt  }
0x80: {  	_ =	shalt  }
0x81: {  	_ =	shalt  }
0x82: {  	_ =	shalt  }
0x83: {  	_ =	shalt  }
0x84: {  	_ =	shalt  }
0x85: {  	_ =	shalt  }
0x86: {  	_ =	shalt  }
0x87: {  	_ =	shalt  }
.Lfunc_end0:
.L_simem_size_0:
called_computation.1_lowered:
.L_overlay_start_0:
0x88: {  	s2 =	sld [smem:$0x3FD9]  }
0x89: {  	s3 =	sld [smem:$0x3FFE];
	_ =	sdelay $0x1  }
0x8a: {  	s1 =	srdreg.scid  }
0x8b: {  	s0 =	sand.u32 $0x1, s1  }
0x8c: {  	s17 =	sshll.u32 s0, $0xA;
	s2 =	sadd.s32 s3, s2  }
0x8d: {  	s2 =	sadd.s32 s2, s17  }
0x8e: {  	[smem:$0x3FC5] =	sst s2  }
0x8f: {  	_ = 	snop  }
0x90: {  	s2 =	sld [smem:$0x3FD0];
	(tm) =	ssettm $0x1  }
0x91: {  	s18 =	sld [smem:$0x3FFB];
	_ =	sdelay $0x3  }
0x92: {  	_ =	strace s18  }
0x93: {  	s3 =	sld [smem:$0x3FFC];
	_ =	sdelay $0x3  }
0x94: {  	_ =	strace s3  }
0x95: {  	s3 =	sld [smem:$0x3FFD];
	_ =	sdelay $0x3  }
0x96: {  	_ =	strace s3  }
0x97: {  	_ =	strace $0x8FFFFFFF  }
0x98: {  	s19 =	sld [smem:$0x3FDB];
	_ =	sdelay $0x1  }
0x99: {  	s4 =	simm.s32 $_scs_section_size  }
0x9a: {  	s5 =	simm.s32 $_size__tile_overlayer_lowered;
	s6 =	simm.s32 $_tile_overlayer_lowered  }
0x9b: {  	s22 =	simm.s32 $0x1BFF;
	s21 =	sshll.u32 s6, $0x1;
	s3 =	sadd.s32 s4, s19  }
0x9c: {  	s7 =	simm.s32 $0x0;
	s20 =	sshll.u32 s5, $0x1;
	s5 =	sadd.s32 s21, s3  }
0x9d: {  	[timem:s7], [sflag:s22] =	dma.local [hbm:s5], s20  }
0x9e: {  	_ =	swait.ge [sflag:s22], s20  }
0x9f: {  	s4 =	ssub.s32 $0x0, s20;
	[sflag:s22] =	ssyncset.done $0x0  }
0xa0: {  	[sflag:s22] =	ssyncadd.s32 s4;
	_ =	sdelay $0x1  }
0xa1: {  	s23 =	simm.s32 $0x1B8B  }
0xa2: {  	_ =	swait.ge [sflag:s23], $0x1  }
0xa3: {  	[sflag:s23] =	ssyncset.done $0x0  }
0xa4: {  	s25 =	simm.s32 $0x1B8E;
	s24 =	sld [smem:$0x3FFE];
	[sflag:s23] =	ssyncadd.s32 $0xFFFFFFFF  }
0xa5: {  	s26 =	simm.s32 $execute0_lowered;
	[smem:$0x3FD2] =	sst s25  }
0xa6: {  	s5 =	sshll.u32 s26, $0x1;
	_ =	strace $0x80000049;
	[dreg:$0x1] =	wrdreg $0xFFFFFFFF  }
0xa7: {  	s28 =	simm.s32 $_size_execute0_lowered;
	s3 =	sadd.s32 s3, s5;
	[dreg:$0x0] =	wrdreg $0x0  }
0xa8: {  	s5 =	sshll.u32 s28, $0x1;
	[dreg:$0x2] =	wrdreg s3  }
0xa9: {  	[dreg:$0x3] =	wrdreg s5  }
0xaa: {  	[dreg:$0x4] =	wrdreg $0xC0  }
0xab: {  	_ =	task [dreg:s7], $0x5FFFF  }
0xac: {  	[dreg:$0x1] =	wrdreg $0xFFFFFFFF  }
0xad: {  	[dreg:$0x0] =	wrdreg $0x60  }
0xae: {  	[dreg:$0x2] =	wrdreg s2  }
0xaf: {  	[dreg:$0x3] =	wrdreg s24  }
0xb0: {  	[dreg:$0x4] =	wrdreg $0x0  }
0xb1: {  	[dreg:$0x5] =	wrdreg $0x9  }
0xb2: {  	_ =	task.clear_ibuf [dreg:s7], $0x6FFFF;
	_ =	strace $0x90000049  }
0xb3: {  	s29 =	simm.s32 $0x9;
	_ =	strace $0x8000004B  }
0xb4: {  	_ =	swait.ge [sflag:s29], $0x1  }
0xb5: {  	[sflag:s29] =	ssyncadd.s32 $0xFFFFFFFF  }
0xb6: {  	_ =	strace $0x9000004B  }
0xb7: {  	_ =	sfence  }
0xb8: {  	s30 =	sld [smem:$0x0];
	_ =	sdelay $0x2  }
0xb9: {  	s31 =	sshll.u32 s1, $0xD;
	s1 =	sshrl.u32 s1, $0x2  }
0xba: {  	s3 =	sand.u32 $0x4000, s31;
	s1 =	sadd.s32 s1, s30  }
0xbb: {  	s0 =	sor.u32 s3, s0;
	s1 =	sshll.u32 s1, $0x11  }
0xbc: {  	s0 =	sor.u32 s1, s0  }
0xbd: {  	s0 =	sadd.s32 $0x8F2B, s0  }
0xbe: {  	[sflag:s0] =	ssyncadd.remote.s32 $0x1  }
0xbf: {  	_ =	sfence.sel $0xFFFF  }
0xc0: {  	[dreg:$0x0] =	wrdreg $0xFFFFFFFF;
	(pc) =	sbr.abs _section_cstart, $3  }
0xc1: {  	[dreg:$0x1] =	wrdreg $0xFFFFFFFF  }
0xc2: {  	_ =	task.clear_ibuf [dreg:s7], $0x2FFFF;
	_ =	strace $0x9FFFFFFF  }
0xc3: {  	(tm) =	ssettm $0x7FFFFFFF  }
tec
execute0_lowered:
.L_overlay_start_1:
0x0: {  	(tag) =	ssettag $0x1  }
0x1: {  	s1 =	rddreg [dreg:$0x0]  }
0x2: {  	s14 =	rddreg [dreg:$0x1]  }
0x3: {  	s3 =	rddreg [dreg:$0x2]  }
0x4: {  	s0 =	rddreg [dreg:$0x3]  }
0x5: {  	s4 =	simm.s32 $0x0;
	s2 =	stileid.u32;
	s7 =	srdreg.scid  }
0x6: {  	s16 =	simm.s32 $0x53DA00;
	s18 =	simm.s32 $0x18000;
	s19 =	simm.s32 $0x18080  }
0x7: {  	s20 =	simm.s32 $0x18100;
	s21 =	simm.s32 $0x80;
	s22 =	simm.s32 $0x1  }
0x8: {  	[smem:$0x7FF] =	sst s4;
	s8 =	smul.u32 $0x50000, s2;
	s5 =	sadd.s32 $0xBA00, s14  }
0x9: {  	s6 =	sadd.s32 $0x1A00, s14;
	s11 =	sand.u32 $0x1, s7;
	s7 =	sadd.s32 $0x15A00, s14  }
0xa: {  	s12 =	sshll.u32 s2, $0x1;
	s17 =	smul.u32 $0x2800, s2;
	_ =	strace $0x8000004A  }
0xb: {  	s9 =	ssub.s32 $0x2, s11;
	s13 =	sor.u32 s11, s12;
	p0 =	seq.s32 s11, $0x1  }
0xc: {  	s8 =	sshrl.u32 s8, $0x2;
	s10 =	sshrl.u32 s9, $0x1;
	s16 =	simm.s32 @!p0 $0x515A00  }
0xd: {  	s13 =	smul.u32 $0x2800, s13;
	s8 =	sadd.s32 s8, s3;
	s15 =	ssub.s32 s9, s10  }
0xe: {  	s16 =	sadd.s32 s16, s14;
	s9 =	sadd.s32 $0x4000, s8;
	s10 =	sadd.s32 $0x8000, s8  }
0xf: {  	s11 =	sadd.s32 $0xC000, s8;
	s12 =	sadd.s32 $0x10000, s8;
	s14 =	smax.u32 s15, $0x1  }
0x10: {  	v0 =	vimm.f32 $0.0e+00;
	s15 =	sadd.s32 s16, s17;
	s16 =	simm.s32 $0x14000;
	s17 =	simm.s32 $0x2  }
.LBB2_1:
0x11: {  	s23 =	simm.s32 $0x0;
	s24 =	simm.s32 $0x200  }
.LBB2_2:
0x12: {  	p0 =	sne.s32 s24, $0xFE00;
	[tilespmem:s23+$0x14070] =	vst v0  }
0x13: {  	[tilespmem:s23+$0x14000] =	vst v0  }
0x14: {  	[tilespmem:s23+$0x14010] =	vst v0  }
.Ltmp0:
0x15: {  	[tilespmem:s23+$0x14020] =	vst v0;
	(pc) =	sbr.rel @p0 .LBB2_2-.Ltmp0, $4  }
0x16: {  	[tilespmem:s23+$0x14030] =	vst v0  }
0x17: {  	[tilespmem:s23+$0x14040] =	vst v0  }
0x18: {  	[tilespmem:s23+$0x14050] =	vst v0  }
0x19: {  	[tilespmem:s23+$0x14060] =	vst v0;
	s23 =	sshra.s32 s24, $0x2;
	s24 =	sadd.s32 $0x200, s24  }
0x1a: {  	[tilespmem:s23+$0x14070] =	vst v0  }
0x1b: {  	[tilespmem:s23+$0x14000] =	vst v0  }
0x1c: {  	[tilespmem:s23+$0x14010] =	vst v0  }
0x1d: {  	[tilespmem:s23+$0x14020] =	vst v0  }
0x1e: {  	[tilespmem:s23+$0x14030] =	vst v0  }
0x1f: {  	[tilespmem:s23+$0x14040] =	vst v0  }
0x20: {  	[tilespmem:s23+$0x14050] =	vst v0  }
0x21: {  	[tilespmem:s23+$0x14060] =	vst v0  }
0x22: {  	[spmem:s8] =	stream.linear.scatter [tilespmem:s16], [sflag:$0x2], $0x4000, $0x38;
	[tilespmem:$0x1C100] =	vst v63  }
0x23: {  	_ =	swait.ge [sflag:s17], $0x4000  }
0x24: {  	[sflag:s17] =	ssyncset.done $0x0  }
0x25: {  	[sflag:s17] =	ssyncadd.s32 $0xFFFFC000  }
0x26: {  	[spmem:s9] =	stream.linear.scatter [tilespmem:s16], [sflag:$0x2], $0x4000, $0x38;
	[tilespmem:$0x1C100] =	vst v63  }
0x27: {  	_ =	swait.ge [sflag:s17], $0x4000  }
0x28: {  	[sflag:s17] =	ssyncset.done $0x0  }
0x29: {  	[sflag:s17] =	ssyncadd.s32 $0xFFFFC000  }
0x2a: {  	[spmem:s10] =	stream.linear.scatter [tilespmem:s16], [sflag:$0x2], $0x4000, $0x38;
	[tilespmem:$0x1C100] =	vst v63  }
0x2b: {  	_ =	swait.ge [sflag:s17], $0x4000  }
0x2c: {  	[sflag:s17] =	ssyncset.done $0x0  }
0x2d: {  	[sflag:s17] =	ssyncadd.s32 $0xFFFFC000  }
0x2e: {  	[spmem:s11] =	stream.linear.scatter [tilespmem:s16], [sflag:$0x2], $0x4000, $0x38;
	[tilespmem:$0x1C100] =	vst v63  }
0x2f: {  	_ =	swait.ge [sflag:s17], $0x4000  }
0x30: {  	[sflag:s17] =	ssyncset.done $0x0  }
0x31: {  	[sflag:s17] =	ssyncadd.s32 $0xFFFFC000  }
0x32: {  	[spmem:s12] =	stream.linear.scatter [tilespmem:s16], [sflag:$0x2], $0x4000, $0x38;
	[tilespmem:$0x1C100] =	vst v63  }
0x33: {  	_ =	swait.ge [sflag:s17], $0x4000  }
0x34: {  	[sflag:s17] =	ssyncset.done $0x0  }
0x35: {  	[sflag:s17] =	ssyncadd.s32 $0xFFFFC000  }
0x36: {  	s23 =	simm.s32 $0x0;
	s24 =	simm.s32 $0x0;
	[bflag:$0x0] =	sbarrier.arrive $0xFFFF  }
.LBB2_4:
0x37: {  	s25 =	sshll.u32 s24, $0x7  }
0x38: {  	s25 =	sadd.s32 s13, s25  }
0x39: {  	s26 =	sshrl.u32 s25, $0x3  }
0x3a: {  	s28 =	sadd.s32 s6, s26  }
0x3b: {  	[tilespmem:s18], [sflag:$0x2] =	stream.linear.gather [hbm4b:s28+s23], $0x80, $0x38;
	[tilespmem:$0x1C100] =	vst v63  }
0x3c: {  	_ =	swait.ge [sflag:s17], $0x80  }
0x3d: {  	[sflag:s17] =	ssyncset.done $0x0  }
0x3e: {  	s26 =	sadd.s32 s5, s26;
	[sflag:s17] =	ssyncadd.s32 $0xFFFFFF80  }
0x3f: {  	[tilespmem:s19], [sflag:$0x2] =	stream.linear.gather [hbm4b:s26+s23], $0x80, $0x38;
	[tilespmem:$0x1C100] =	vst v63  }
0x40: {  	_ =	swait.ge [sflag:s17], $0x80  }
0x41: {  	s25 =	sshll.u32 s25, $0x4;
	[sflag:s17] =	ssyncset.done $0x0  }
0x42: {  	s25 =	sadd.s32 s7, s25;
	[sflag:s17] =	ssyncadd.s32 $0xFFFFFF80  }
0x43: {  	[tilespmem:s20], [sflag:$0x2] =	stream.linear.gather [hbm4b:s25+s23], $0x4000, $0x38;
	[tilespmem:$0x1C100] =	vst v63  }
0x44: {  	_ =	swait.ge [sflag:s17], $0x4000  }
0x45: {  	[sflag:s17] =	ssyncset.done $0x0  }
0x46: {  	[sflag:s17] =	ssyncadd.s32 $0xFFFFC000  }
0x47: {  	[tilespmem:s16], [sflag:$0x1] =	stream.indirect.gather [hbm4b:s1+s21], $0x80, s18, s21, $0xb8;
	[tilespmem:$0x1C100] =	vst v63  }
0x48: {  	_ =	swait.ge [sflag:s22], $0x4000  }
0x49: {  	[sflag:s22] =	ssyncset.done $0x0  }
0x4a: {  	s25 =	simm.s32 $0x0;
	[sflag:s22] =	ssyncadd.s32 $0xFFFFC000  }
0x4b: {  	v1 =	vld [tilespmem:s25+$0x18100]  }
0x4c: {  	v5 =	vld [tilespmem:s25+$0x14000]  }
0x4d: {  	v7 =	vld [tilespmem:s25+$0x14010]  }
0x4e: {  	v6 =	vld [tilespmem:s25+$0x14020]  }
0x4f: {  	v4 =	vld [tilespmem:s25+$0x14030]  }
0x50: {  	v2 =	vld [tilespmem:s25+$0x14040]  }
0x51: {  	v3 =	vld [tilespmem:s25+$0x14050];
	v8 =	vmul.f32 v5, v1  }
0x52: {  	s26 =	simm.s32 $0x200;
	v7 =	vmul.f32 v7, v1;
	v5 =	vld [tilespmem:s25+$0x14060]  }
.LBB2_5:
0x53: {  	s28 =	sshra.s32 s26, $0x2;
	p0 =	sne.s32 s26, $0xFE00;
	[tilespmem:s25+$0x14000] =	vst v8;
	v6 =	vmul.f32 v6, v1;
	v8 =	vld [tilespmem:s25+$0x14070]  }
0x54: {  	v9 =	vld [tilespmem:s28+$0x18100];
	[tilespmem:s25+$0x14010] =	vst v7;
	v4 =	vmul.f32 v4, v1  }
0x55: {  	v7 =	vld [tilespmem:s28+$0x14000];
	[tilespmem:s25+$0x14020] =	vst v6;
	v2 =	vmul.f32 v2, v1  }
0x56: {  	v10 =	vld [tilespmem:s28+$0x14010];
	[tilespmem:s25+$0x14030] =	vst v4;
	v3 =	vmul.f32 v3, v1  }
.Ltmp1:
0x57: {  	v6 =	vld [tilespmem:s28+$0x14020];
	[tilespmem:s25+$0x14040] =	vst v2;
	v5 =	vmul.f32 v5, v1;
	(pc) =	sbr.rel @p0 .LBB2_5-.Ltmp1, $4  }
0x58: {  	v4 =	vld [tilespmem:s28+$0x14030];
	[tilespmem:s25+$0x14050] =	vst v3;
	v11 =	vmul.f32 v8, v1  }
0x59: {  	v2 =	vld [tilespmem:s28+$0x14040];
	[tilespmem:s25+$0x14060] =	vst v5;
	v1 =	vmov v9  }
0x5a: {  	v8 =	vmul.f32 v7, v1;
	v3 =	vld [tilespmem:s28+$0x14050];
	[tilespmem:s25+$0x14070] =	vst v11;
	s25 =	smov.u32 s28  }
0x5b: {  	s26 =	sadd.s32 $0x200, s26;
	v7 =	vmul.f32 v10, v1;
	v5 =	vld [tilespmem:s25+$0x14060]  }
0x5c: {  	[tilespmem:s25+$0x14000] =	vst v8;
	v6 =	vmul.f32 v6, v1;
	v63 =	vld [tilespmem:s25+$0x14070]  }
0x5d: {  	[tilespmem:s25+$0x14010] =	vst v7;
	v4 =	vmul.f32 v4, v1  }
0x5e: {  	[tilespmem:s25+$0x14020] =	vst v6;
	v2 =	vmul.f32 v2, v1  }
0x5f: {  	[tilespmem:s25+$0x14030] =	vst v4;
	v3 =	vmul.f32 v3, v1  }
0x60: {  	[tilespmem:s25+$0x14040] =	vst v2;
	v2 =	vmul.f32 v5, v1  }
0x61: {  	s24 =	sadd.s32 $0x1, s24;
	[tilespmem:s25+$0x14050] =	vst v3;
	v1 =	vmul.f32 v63, v1  }
0x62: {  	p0 =	sne.s32 s24, $0x50;
	[tilespmem:s25+$0x14060] =	vst v2  }
.Ltmp2:
0x63: {  	[tilespmem:s25+$0x14070] =	vst v1;
	(pc) =	sbr.rel @p0 .LBB2_4-.Ltmp2, $4  }
0x64: {  	[spmem:s3] =	stream.indirect.scatter.add.f32 [tilespmem:s16], [sflag:$0x2], $0x80, s19, s21, $0xb8;
	[tilespmem:$0x1C100] =	vst v63  }
0x65: {  	_ =	swait.ge [sflag:s17], $0x4000  }
0x66: {  	[sflag:s17] =	ssyncset.done $0x0  }
0x67: {  	[sflag:s17] =	ssyncadd.s32 $0xFFFFC000  }
0x68: {  	s4 =	sadd.s32 $0x1, s4  }
0x69: {  	s23 =	sshll.u32 s2, $0x6;
	[bflag:$0x0] =	sbarrier.arrive $0xFFFF;
	p0 =	sne.s32 s4, s14  }
.Ltmp3:
0x6a: {  	s24 =	sshrl.u32 s8, $0x3;
	s23 =	sor.u32 $0x1C02, s23;
	(pc) =	sbr.rel @p0 .LBB2_1-.Ltmp3, $4  }
0x6b: {  	[hbm:s15], [sflag:s23] =	dma.local [spmem:s24], $0x2800  }
0x6c: {  	_ =	swait.ge [sflag:s17], $0x2800  }
0x6d: {  	[sflag:s17] =	ssyncset.done $0x0  }
0x6e: {  	[sflag:s17] =	ssyncadd.s32 $0xFFFFD800  }
0x6f: {  	_ =	sfence.sel $0x180000  }
0x70: {  	[bflag:$0x0] =	sbarrier.arrive $0xFFFF  }
0x71: {  	p0 =	sne.s32 s2, $0x0;
	_ =	strace $0x9000004A  }
0x72: {  	s0 =	sadd.s32 @!p0 $0x100000, s0;
	[bflag:$0x2] =	sbarrier.arrive $0xFFFF  }
0x73: {  	[sflag:s0] =	ssyncadd.tile.s32 @!p0 $0x1;
	_ =	shalt  }
.Lfunc_end2:
_tile_overlayer_lowered:
.L_overlay_start_2:
0x74: {  	(tag) =	ssettag $0x2  }
0x75: {  	s0 =	rddreg [dreg:$0x0];
	s2 =	stileid.u32  }
0x76: {  	s1 =	rddreg [dreg:$0x1];
	p0 =	sne.s32 s2, $0x0  }
0x77: {  	s3 =	rddreg [dreg:$0x2];
	[bflag:$0x3] =	sbarrier.arrive $0xFFFF;
	s2 =	simm.s32 @!p0 $0x1C02  }
0x78: {  	[timem:s3], [sflag:s2] =	dma.local @!p0 [hbm:s0], s1  }
0x79: {  	s0 =	simm.s32 @!p0 $0x2  }
0x7a: {  	_ =	swait.ge @!p0 [sflag:s0], s1  }
0x7b: {  	s1 =	ssub.s32 @!p0 $0x0, s1;
	[sflag:s0] =	ssyncset.done @!p0 $0x0  }
0x7c: {  	[sflag:s0] =	ssyncadd.s32 @!p0 s1  }
0x7d: {  	[bflag:$0x3] =	sbarrier.arrive $0xFFFF  }
0x7e: {  	_ =	shalt  }

// kernel: kernel.7.cloned.1.call-start
scs
__scs_entry_jumppad:
0x0: {  	(pc) =	sbr.rel $0x88, $3  }
0x1: {  	(tag) =	ssettag $0x0;
	lr =	simm.s32 $0x1  }
0x2: {  	[smem:$0x3F9E] =	sst lr;
	_ =	strace $0xD0000000  }
0x3: {  	_ = 	snop  }
0x4: {  	_ = 	snop  }
0x5: {  	_ = 	snop  }
0x6: {  	_ = 	snop  }
0x7: {  	_ = 	snop  }
__scs_overlays_trampoline_lowered:
0x8: {  	[smem:$0x3FAD] =	sst s0  }
0x9: {  	[smem:$0x3FAE] =	sst s1  }
0xa: {  	[smem:$0x3FAF] =	sst s2  }
0xb: {  	[smem:$0x3FB0] =	sst s3  }
0xc: {  	[smem:$0x3FB1] =	sst s4  }
0xd: {  	[smem:$0x3FB2] =	sst s5  }
0xe: {  	[smem:$0x3FB3] =	sst s6  }
0xf: {  	[smem:$0x3FB4] =	sst s7  }
0x10: {  	[smem:$0x3FB5] =	sst s8  }
0x11: {  	[smem:$0x3FB6] =	sst s9;
	s0 =	simm.s32 @!p0 $0x0  }
0x12: {  	s1 =	sld [smem:$0x3F9C];
	s0 =	simm.s32 @p0 $0x1  }
0x13: {  	[smem:$0x3FB7] =	sst s0;
	s0 =	simm.s32 @!p1 $0x0  }
0x14: {  	s2 =	sld [smem:$0x3F9B];
	s0 =	simm.s32 @p1 $0x1  }
0x15: {  	[smem:$0x3FB8] =	sst s0;
	s0 =	simm.s32 @!p2 $0x0  }
0x16: {  	s3 =	sld [smem:$0x3FDB];
	s0 =	simm.s32 @p2 $0x1  }
0x17: {  	s4 =	simm.s32 $0x1BF5;
	[smem:$0x3FBA] =	sst s0  }
0x18: {  	s0 =	sld [smem:$0x3F9D];
	_ =	swait.ge [sflag:s4], $0x0  }
0x19: {  	s7 =	sld [smem:$0x3F9E]  }
0x1a: {  	s8 =	sadd.s32 $0xFFFFE003, lr  }
0x1b: {  	s9 =	sadd.s32 $0xFFFFFEF7, lr;
	s5 =	simm.s32 $0xFFFFFFFF;
	p2 =	slt.u32 s8, $0xFFFFF086  }
0x1c: {  	p1 =	slt.u32 s9, $0xF7A;
	s5 =	simm.s32 @!p2 $0x0  }
0x1d: {  	s5 =	simm.s32 @p1 $0x1;
	p0 =	seq.s32 s7, s2  }
0x1e: {  	s7 =	smul.u32 @!p0 $0xF7A, s2;
	p2 =	seq.s32 @!p0 s5, $0x0  }
0x1f: {  	s9 =	smul.u32 $0xF7A, s1;
	s8 =	simm.s32 @!p0 $0x1BF5;
	p2 =	por !p2, p0  }
0x20: {  	[sflag:s8] =	ssyncset.s32 @!p0 $0xFFFFF086;
	s6 =	sadd.s32 @!p0 s3, s7;
	s7 =	simm.s32 @!p0 $0x108  }
0x21: {  	s3 =	sadd.s32 s3, s9;
	s6 =	sadd.s32 @!p0 $0x88, s6;
	s7 =	simm.s32 @p2 $0x1082  }
0x22: {  	[simem:s7], [sflag:s8] =	dma.local @!p0 [hbm:s6], $0xF7A  }
0x23: {  	s9 =	sor.u32 $0xD0000000, s2;
	s6 =	simm.s32 $0x108;
	_ =	swait.ge @!p0 [sflag:s8], $0x0  }
0x24: {  	s3 =	sadd.s32 $0x88, s3;
	s6 =	simm.s32 @!p1 $0x1082;
	[sflag:s4] =	ssyncset.s32 $0xFFFFF086  }
0x25: {  	[simem:s6], [sflag:s4] =	dma.local [hbm:s3], $0xF7A  }
0x26: {  	[smem:$0x3F9E] =	sst s1;
	(tag) =	ssettag s2;
	_ =	strace s9  }
0x27: {  	s1 =	sld [smem:$0x3FAE]  }
0x28: {  	s2 =	sld [smem:$0x3FAF]  }
0x29: {  	s4 =	sld [smem:$0x3FB1]  }
0x2a: {  	p0 =	seq.s32 s5, $0x0;
	s5 =	sld [smem:$0x3FB2]  }
0x2b: {  	s6 =	sld [smem:$0x3FB3]  }
0x2c: {  	s7 =	sld [smem:$0x3FB4]  }
0x2d: {  	s3 =	simm.s32 $0x108;
	s8 =	sld [smem:$0x3FB5]  }
0x2e: {  	s3 =	simm.s32 @!p0 $0x1082;
	s9 =	sld [smem:$0x3FB6]  }
0x2f: {  	lr =	sadd.s32 s0, s3;
	s0 =	sld [smem:$0x3FAD]  }
0x30: {  	s3 =	sld [smem:$0x3FB0]  }
0x31: {  	[smem:$0x3FB9] =	sst s10  }
0x32: {  	s10 =	sld [smem:$0x3FB7];
	_ =	sdelay $0x3  }
0x33: {  	p0 =	seq.s32 s10, $0x1;
	s10 =	sld [smem:$0x3FB9];
	_ =	sdelay $0x3  }
0x34: {  	[smem:$0x3FB9] =	sst s10  }
0x35: {  	s10 =	sld [smem:$0x3FB8];
	_ =	sdelay $0x3  }
0x36: {  	p1 =	seq.s32 s10, $0x1;
	s10 =	sld [smem:$0x3FB9];
	_ =	sdelay $0x3  }
0x37: {  	[smem:$0x3FB9] =	sst s10  }
0x38: {  	s10 =	sld [smem:$0x3FBA]  }
0x39: {  	_ = 	snop;
	(pc) =	sbr.ind lr, $3  }
0x3a: {  	_ = 	snop  }
0x3b: {  	_ = 	snop  }
0x3c: {  	p2 =	seq.s32 s10, $0x1;
	s10 =	sld [smem:$0x3FB9]  }
0x3d: {  	_ =	shalt  }
0x3e: {  	_ =	shalt  }
0x3f: {  	_ =	shalt  }
0x40: {  	_ =	shalt  }
0x41: {  	_ =	shalt  }
0x42: {  	_ =	shalt  }
0x43: {  	_ =	shalt  }
0x44: {  	_ =	shalt  }
0x45: {  	_ =	shalt  }
0x46: {  	_ =	shalt  }
0x47: {  	_ =	shalt  }
0x48: {  	_ =	shalt  }
0x49: {  	_ =	shalt  }
0x4a: {  	_ =	shalt  }
0x4b: {  	_ =	shalt  }
0x4c: {  	_ =	shalt  }
0x4d: {  	_ =	shalt  }
0x4e: {  	_ =	shalt  }
0x4f: {  	_ =	shalt  }
0x50: {  	_ =	shalt  }
0x51: {  	_ =	shalt  }
0x52: {  	_ =	shalt  }
0x53: {  	_ =	shalt  }
0x54: {  	_ =	shalt  }
0x55: {  	_ =	shalt  }
0x56: {  	_ =	shalt  }
0x57: {  	_ =	shalt  }
0x58: {  	_ =	shalt  }
0x59: {  	_ =	shalt  }
0x5a: {  	_ =	shalt  }
0x5b: {  	_ =	shalt  }
0x5c: {  	_ =	shalt  }
0x5d: {  	_ =	shalt  }
0x5e: {  	_ =	shalt  }
0x5f: {  	_ =	shalt  }
0x60: {  	_ =	shalt  }
0x61: {  	_ =	shalt  }
0x62: {  	_ =	shalt  }
0x63: {  	_ =	shalt  }
0x64: {  	_ =	shalt  }
0x65: {  	_ =	shalt  }
0x66: {  	_ =	shalt  }
0x67: {  	_ =	shalt  }
0x68: {  	_ =	shalt  }
0x69: {  	_ =	shalt  }
0x6a: {  	_ =	shalt  }
0x6b: {  	_ =	shalt  }
0x6c: {  	_ =	shalt  }
0x6d: {  	_ =	shalt  }
0x6e: {  	_ =	shalt  }
0x6f: {  	_ =	shalt  }
0x70: {  	_ =	shalt  }
0x71: {  	_ =	shalt  }
0x72: {  	_ =	shalt  }
0x73: {  	_ =	shalt  }
0x74: {  	_ =	shalt  }
0x75: {  	_ =	shalt  }
0x76: {  	_ =	shalt  }
0x77: {  	_ =	shalt  }
0x78: {  	_ =	shalt  }
0x79: {  	_ =	shalt  }
0x7a: {  	_ =	shalt  }
0x7b: {  	_ =	shalt  }
0x7c: {  	_ =	shalt  }
0x7d: {  	_ =	shalt  }
0x7e: {  	_ =	shalt  }
0x7f: {  	_ =	shalt  }
0x80: {  	_ =	shalt  }
0x81: {  	_ =	shalt  }
0x82: {  	_ =	shalt  }
0x83: {  	_ =	shalt  }
0x84: {  	_ =	shalt  }
0x85: {  	_ =	shalt  }
0x86: {  	_ =	shalt  }
0x87: {  	_ =	shalt  }
.Lfunc_end0:
.L_simem_size_0:
called_computation_lowered:
.L_overlay_start_0:
0x88: {  	s2 =	sld [smem:$0x3FD9]  }
0x89: {  	s3 =	sld [smem:$0x3FFE];
	_ =	sdelay $0x1  }
0x8a: {  	s1 =	srdreg.scid  }
0x8b: {  	s0 =	sand.u32 $0x1, s1  }
0x8c: {  	s17 =	sshll.u32 s0, $0xA;
	s2 =	sadd.s32 s3, s2  }
0x8d: {  	s2 =	sadd.s32 s2, s17  }
0x8e: {  	[smem:$0x3FC5] =	sst s2  }
0x8f: {  	_ = 	snop  }
0x90: {  	s2 =	sld [smem:$0x3FD0];
	(tm) =	ssettm $0x1  }
0x91: {  	s18 =	sld [smem:$0x3FFB];
	_ =	sdelay $0x3  }
0x92: {  	_ =	strace s18  }
0x93: {  	s3 =	sld [smem:$0x3FFC];
	_ =	sdelay $0x3  }
0x94: {  	_ =	strace s3  }
0x95: {  	s3 =	sld [smem:$0x3FFD];
	_ =	sdelay $0x3  }
0x96: {  	_ =	strace s3  }
0x97: {  	_ =	strace $0x8FFFFFFF  }
0x98: {  	s19 =	sld [smem:$0x3FDB];
	_ =	sdelay $0x1  }
0x99: {  	s4 =	simm.s32 $_scs_section_size  }
0x9a: {  	s5 =	simm.s32 $_size__tile_overlayer_lowered;
	s6 =	simm.s32 $_tile_overlayer_lowered  }
0x9b: {  	s22 =	simm.s32 $0x1BFF;
	s21 =	sshll.u32 s6, $0x1;
	s3 =	sadd.s32 s4, s19  }
0x9c: {  	s7 =	simm.s32 $0x0;
	s20 =	sshll.u32 s5, $0x1;
	s5 =	sadd.s32 s21, s3  }
0x9d: {  	[timem:s7], [sflag:s22] =	dma.local [hbm:s5], s20  }
0x9e: {  	_ =	swait.ge [sflag:s22], s20  }
0x9f: {  	s4 =	ssub.s32 $0x0, s20;
	[sflag:s22] =	ssyncset.done $0x0  }
0xa0: {  	[sflag:s22] =	ssyncadd.s32 s4;
	_ =	sdelay $0x1  }
0xa1: {  	s23 =	simm.s32 $0x1B8B  }
0xa2: {  	_ =	swait.ge [sflag:s23], $0x1  }
0xa3: {  	[sflag:s23] =	ssyncset.done $0x0  }
0xa4: {  	s25 =	simm.s32 $0x1B8E;
	s24 =	sld [smem:$0x3FFE];
	[sflag:s23] =	ssyncadd.s32 $0xFFFFFFFF  }
0xa5: {  	s26 =	simm.s32 $execute0_lowered;
	[smem:$0x3FD2] =	sst s25  }
0xa6: {  	s5 =	sshll.u32 s26, $0x1;
	_ =	strace $0x80000046;
	[dreg:$0x1] =	wrdreg $0xFFFFFFFF  }
0xa7: {  	s28 =	simm.s32 $_size_execute0_lowered;
	s3 =	sadd.s32 s3, s5;
	[dreg:$0x0] =	wrdreg $0x0  }
0xa8: {  	s5 =	sshll.u32 s28, $0x1;
	[dreg:$0x2] =	wrdreg s3  }
0xa9: {  	[dreg:$0x3] =	wrdreg s5  }
0xaa: {  	[dreg:$0x4] =	wrdreg $0xC0  }
0xab: {  	_ =	task [dreg:s7], $0x5FFFF  }
0xac: {  	[dreg:$0x1] =	wrdreg $0xFFFFFFFF  }
0xad: {  	[dreg:$0x0] =	wrdreg $0x60  }
0xae: {  	[dreg:$0x2] =	wrdreg s2  }
0xaf: {  	[dreg:$0x3] =	wrdreg s24  }
0xb0: {  	[dreg:$0x4] =	wrdreg $0x0  }
0xb1: {  	[dreg:$0x5] =	wrdreg $0x9  }
0xb2: {  	_ =	task.clear_ibuf [dreg:s7], $0x6FFFF;
	_ =	strace $0x90000046  }
0xb3: {  	s29 =	simm.s32 $0x9;
	_ =	strace $0x80000048  }
0xb4: {  	_ =	swait.ge [sflag:s29], $0x1  }
0xb5: {  	[sflag:s29] =	ssyncadd.s32 $0xFFFFFFFF  }
0xb6: {  	_ =	strace $0x90000048  }
0xb7: {  	_ =	sfence  }
0xb8: {  	s30 =	sld [smem:$0x0];
	_ =	sdelay $0x2  }
0xb9: {  	s31 =	sshll.u32 s1, $0xD;
	s1 =	sshrl.u32 s1, $0x2  }
0xba: {  	s3 =	sand.u32 $0x4000, s31;
	s1 =	sadd.s32 s1, s30  }
0xbb: {  	s0 =	sor.u32 s3, s0;
	s1 =	sshll.u32 s1, $0x11  }
0xbc: {  	s0 =	sor.u32 s1, s0  }
0xbd: {  	s0 =	sadd.s32 $0x8F2B, s0  }
0xbe: {  	[sflag:s0] =	ssyncadd.remote.s32 $0x1  }
0xbf: {  	_ =	sfence.sel $0xFFFF  }
0xc0: {  	[dreg:$0x0] =	wrdreg $0xFFFFFFFF;
	(pc) =	sbr.abs _section_cstart, $3  }
0xc1: {  	[dreg:$0x1] =	wrdreg $0xFFFFFFFF  }
0xc2: {  	_ =	task.clear_ibuf [dreg:s7], $0x2FFFF;
	_ =	strace $0x9FFFFFFF  }
0xc3: {  	(tm) =	ssettm $0x7FFFFFFF  }
tec
execute0_lowered:
.L_overlay_start_1:
0x0: {  	(tag) =	ssettag $0x1  }
0x1: {  	s1 =	rddreg [dreg:$0x0]  }
0x2: {  	s14 =	rddreg [dreg:$0x1]  }
0x3: {  	s3 =	rddreg [dreg:$0x2]  }
0x4: {  	s0 =	rddreg [dreg:$0x3]  }
0x5: {  	s4 =	simm.s32 $0x0;
	s2 =	stileid.u32;
	s7 =	srdreg.scid  }
0x6: {  	s16 =	simm.s32 $0x53DA00;
	s18 =	simm.s32 $0x18000;
	s19 =	simm.s32 $0x18080  }
0x7: {  	s20 =	simm.s32 $0x18100;
	s21 =	simm.s32 $0x80;
	s22 =	simm.s32 $0x1  }
0x8: {  	[smem:$0x7FF] =	sst s4;
	s8 =	smul.u32 $0x50000, s2;
	s5 =	sadd.s32 $0xBA00, s14  }
0x9: {  	s6 =	sadd.s32 $0x1A00, s14;
	s11 =	sand.u32 $0x1, s7;
	s7 =	sadd.s32 $0x15A00, s14  }
0xa: {  	s12 =	sshll.u32 s2, $0x1;
	s17 =	smul.u32 $0x2800, s2;
	_ =	strace $0x80000047  }
0xb: {  	s9 =	ssub.s32 $0x2, s11;
	s13 =	sor.u32 s11, s12;
	p0 =	seq.s32 s11, $0x1  }
0xc: {  	s8 =	sshrl.u32 s8, $0x2;
	s10 =	sshrl.u32 s9, $0x1;
	s16 =	simm.s32 @!p0 $0x515A00  }
0xd: {  	s13 =	smul.u32 $0x2800, s13;
	s8 =	sadd.s32 s8, s3;
	s15 =	ssub.s32 s9, s10  }
0xe: {  	s16 =	sadd.s32 s16, s14;
	s9 =	sadd.s32 $0x4000, s8;
	s10 =	sadd.s32 $0x8000, s8  }
0xf: {  	s11 =	sadd.s32 $0xC000, s8;
	s12 =	sadd.s32 $0x10000, s8;
	s14 =	smax.u32 s15, $0x1  }
0x10: {  	v0 =	vimm.f32 $0.0e+00;
	s15 =	sadd.s32 s16, s17;
	s16 =	simm.s32 $0x14000;
	s17 =	simm.s32 $0x2  }
.LBB2_1:
0x11: {  	s23 =	simm.s32 $0x0;
	s24 =	simm.s32 $0x200  }
.LBB2_2:
0x12: {  	p0 =	sne.s32 s24, $0xFE00;
	[tilespmem:s23+$0x14070] =	vst v0  }
0x13: {  	[tilespmem:s23+$0x14000] =	vst v0  }
0x14: {  	[tilespmem:s23+$0x14010] =	vst v0  }
.Ltmp0:
0x15: {  	[tilespmem:s23+$0x14020] =	vst v0;
	(pc) =	sbr.rel @p0 .LBB2_2-.Ltmp0, $4  }
0x16: {  	[tilespmem:s23+$0x14030] =	vst v0  }
0x17: {  	[tilespmem:s23+$0x14040] =	vst v0  }
0x18: {  	[tilespmem:s23+$0x14050] =	vst v0  }
0x19: {  	[tilespmem:s23+$0x14060] =	vst v0;
	s23 =	sshra.s32 s24, $0x2;
	s24 =	sadd.s32 $0x200, s24  }
0x1a: {  	[tilespmem:s23+$0x14070] =	vst v0  }
0x1b: {  	[tilespmem:s23+$0x14000] =	vst v0  }
0x1c: {  	[tilespmem:s23+$0x14010] =	vst v0  }
0x1d: {  	[tilespmem:s23+$0x14020] =	vst v0  }
0x1e: {  	[tilespmem:s23+$0x14030] =	vst v0  }
0x1f: {  	[tilespmem:s23+$0x14040] =	vst v0  }
0x20: {  	[tilespmem:s23+$0x14050] =	vst v0  }
0x21: {  	[tilespmem:s23+$0x14060] =	vst v0  }
0x22: {  	[spmem:s8] =	stream.linear.scatter [tilespmem:s16], [sflag:$0x2], $0x4000, $0x38;
	[tilespmem:$0x1C100] =	vst v63  }
0x23: {  	_ =	swait.ge [sflag:s17], $0x4000  }
0x24: {  	[sflag:s17] =	ssyncset.done $0x0  }
0x25: {  	[sflag:s17] =	ssyncadd.s32 $0xFFFFC000  }
0x26: {  	[spmem:s9] =	stream.linear.scatter [tilespmem:s16], [sflag:$0x2], $0x4000, $0x38;
	[tilespmem:$0x1C100] =	vst v63  }
0x27: {  	_ =	swait.ge [sflag:s17], $0x4000  }
0x28: {  	[sflag:s17] =	ssyncset.done $0x0  }
0x29: {  	[sflag:s17] =	ssyncadd.s32 $0xFFFFC000  }
0x2a: {  	[spmem:s10] =	stream.linear.scatter [tilespmem:s16], [sflag:$0x2], $0x4000, $0x38;
	[tilespmem:$0x1C100] =	vst v63  }
0x2b: {  	_ =	swait.ge [sflag:s17], $0x4000  }
0x2c: {  	[sflag:s17] =	ssyncset.done $0x0  }
0x2d: {  	[sflag:s17] =	ssyncadd.s32 $0xFFFFC000  }
0x2e: {  	[spmem:s11] =	stream.linear.scatter [tilespmem:s16], [sflag:$0x2], $0x4000, $0x38;
	[tilespmem:$0x1C100] =	vst v63  }
0x2f: {  	_ =	swait.ge [sflag:s17], $0x4000  }
0x30: {  	[sflag:s17] =	ssyncset.done $0x0  }
0x31: {  	[sflag:s17] =	ssyncadd.s32 $0xFFFFC000  }
0x32: {  	[spmem:s12] =	stream.linear.scatter [tilespmem:s16], [sflag:$0x2], $0x4000, $0x38;
	[tilespmem:$0x1C100] =	vst v63  }
0x33: {  	_ =	swait.ge [sflag:s17], $0x4000  }
0x34: {  	[sflag:s17] =	ssyncset.done $0x0  }
0x35: {  	[sflag:s17] =	ssyncadd.s32 $0xFFFFC000  }
0x36: {  	s23 =	simm.s32 $0x0;
	s24 =	simm.s32 $0x0;
	[bflag:$0x0] =	sbarrier.arrive $0xFFFF  }
.LBB2_4:
0x37: {  	s25 =	sshll.u32 s24, $0x7  }
0x38: {  	s25 =	sadd.s32 s13, s25  }
0x39: {  	s26 =	sshrl.u32 s25, $0x3  }
0x3a: {  	s28 =	sadd.s32 s6, s26  }
0x3b: {  	[tilespmem:s18], [sflag:$0x2] =	stream.linear.gather [hbm4b:s28+s23], $0x80, $0x38;
	[tilespmem:$0x1C100] =	vst v63  }
0x3c: {  	_ =	swait.ge [sflag:s17], $0x80  }
0x3d: {  	[sflag:s17] =	ssyncset.done $0x0  }
0x3e: {  	s26 =	sadd.s32 s5, s26;
	[sflag:s17] =	ssyncadd.s32 $0xFFFFFF80  }
0x3f: {  	[tilespmem:s19], [sflag:$0x2] =	stream.linear.gather [hbm4b:s26+s23], $0x80, $0x38;
	[tilespmem:$0x1C100] =	vst v63  }
0x40: {  	_ =	swait.ge [sflag:s17], $0x80  }
0x41: {  	s25 =	sshll.u32 s25, $0x4;
	[sflag:s17] =	ssyncset.done $0x0  }
0x42: {  	s25 =	sadd.s32 s7, s25;
	[sflag:s17] =	ssyncadd.s32 $0xFFFFFF80  }
0x43: {  	[tilespmem:s20], [sflag:$0x2] =	stream.linear.gather [hbm4b:s25+s23], $0x4000, $0x38;
	[tilespmem:$0x1C100] =	vst v63  }
0x44: {  	_ =	swait.ge [sflag:s17], $0x4000  }
0x45: {  	[sflag:s17] =	ssyncset.done $0x0  }
0x46: {  	[sflag:s17] =	ssyncadd.s32 $0xFFFFC000  }
0x47: {  	[tilespmem:s16], [sflag:$0x1] =	stream.indirect.gather [hbm4b:s1+s21], $0x80, s18, s21, $0xb8;
	[tilespmem:$0x1C100] =	vst v63  }
0x48: {  	_ =	swait.ge [sflag:s22], $0x4000  }
0x49: {  	[sflag:s22] =	ssyncset.done $0x0  }
0x4a: {  	s25 =	simm.s32 $0x0;
	[sflag:s22] =	ssyncadd.s32 $0xFFFFC000  }
0x4b: {  	v1 =	vld [tilespmem:s25+$0x18100]  }
0x4c: {  	v5 =	vld [tilespmem:s25+$0x14000]  }
0x4d: {  	v7 =	vld [tilespmem:s25+$0x14010]  }
0x4e: {  	v6 =	vld [tilespmem:s25+$0x14020]  }
0x4f: {  	v4 =	vld [tilespmem:s25+$0x14030]  }
0x50: {  	v2 =	vld [tilespmem:s25+$0x14040]  }
0x51: {  	v3 =	vld [tilespmem:s25+$0x14050];
	v8 =	vmul.f32 v5, v1  }
0x52: {  	s26 =	simm.s32 $0x200;
	v7 =	vmul.f32 v7, v1;
	v5 =	vld [tilespmem:s25+$0x14060]  }
.LBB2_5:
0x53: {  	s28 =	sshra.s32 s26, $0x2;
	p0 =	sne.s32 s26, $0xFE00;
	[tilespmem:s25+$0x14000] =	vst v8;
	v6 =	vmul.f32 v6, v1;
	v8 =	vld [tilespmem:s25+$0x14070]  }
0x54: {  	v9 =	vld [tilespmem:s28+$0x18100];
	[tilespmem:s25+$0x14010] =	vst v7;
	v4 =	vmul.f32 v4, v1  }
0x55: {  	v7 =	vld [tilespmem:s28+$0x14000];
	[tilespmem:s25+$0x14020] =	vst v6;
	v2 =	vmul.f32 v2, v1  }
0x56: {  	v10 =	vld [tilespmem:s28+$0x14010];
	[tilespmem:s25+$0x14030] =	vst v4;
	v3 =	vmul.f32 v3, v1  }
.Ltmp1:
0x57: {  	v6 =	vld [tilespmem:s28+$0x14020];
	[tilespmem:s25+$0x14040] =	vst v2;
	v5 =	vmul.f32 v5, v1;
	(pc) =	sbr.rel @p0 .LBB2_5-.Ltmp1, $4  }
0x58: {  	v4 =	vld [tilespmem:s28+$0x14030];
	[tilespmem:s25+$0x14050] =	vst v3;
	v11 =	vmul.f32 v8, v1  }
0x59: {  	v2 =	vld [tilespmem:s28+$0x14040];
	[tilespmem:s25+$0x14060] =	vst v5;
	v1 =	vmov v9  }
0x5a: {  	v8 =	vmul.f32 v7, v1;
	v3 =	vld [tilespmem:s28+$0x14050];
	[tilespmem:s25+$0x14070] =	vst v11;
	s25 =	smov.u32 s28  }
0x5b: {  	s26 =	sadd.s32 $0x200, s26;
	v7 =	vmul.f32 v10, v1;
	v5 =	vld [tilespmem:s25+$0x14060]  }
0x5c: {  	[tilespmem:s25+$0x14000] =	vst v8;
	v6 =	vmul.f32 v6, v1;
	v63 =	vld [tilespmem:s25+$0x14070]  }
0x5d: {  	[tilespmem:s25+$0x14010] =	vst v7;
	v4 =	vmul.f32 v4, v1  }
0x5e: {  	[tilespmem:s25+$0x14020] =	vst v6;
	v2 =	vmul.f32 v2, v1  }
0x5f: {  	[tilespmem:s25+$0x14030] =	vst v4;
	v3 =	vmul.f32 v3, v1  }
0x60: {  	[tilespmem:s25+$0x14040] =	vst v2;
	v2 =	vmul.f32 v5, v1  }
0x61: {  	s24 =	sadd.s32 $0x1, s24;
	[tilespmem:s25+$0x14050] =	vst v3;
	v1 =	vmul.f32 v63, v1  }
0x62: {  	p0 =	sne.s32 s24, $0x50;
	[tilespmem:s25+$0x14060] =	vst v2  }
.Ltmp2:
0x63: {  	[tilespmem:s25+$0x14070] =	vst v1;
	(pc) =	sbr.rel @p0 .LBB2_4-.Ltmp2, $4  }
0x64: {  	[spmem:s3] =	stream.indirect.scatter.add.f32 [tilespmem:s16], [sflag:$0x2], $0x80, s19, s21, $0xb8;
	[tilespmem:$0x1C100] =	vst v63  }
0x65: {  	_ =	swait.ge [sflag:s17], $0x4000  }
0x66: {  	[sflag:s17] =	ssyncset.done $0x0  }
0x67: {  	[sflag:s17] =	ssyncadd.s32 $0xFFFFC000  }
0x68: {  	s4 =	sadd.s32 $0x1, s4  }
0x69: {  	s23 =	sshll.u32 s2, $0x6;
	[bflag:$0x0] =	sbarrier.arrive $0xFFFF;
	p0 =	sne.s32 s4, s14  }
.Ltmp3:
0x6a: {  	s24 =	sshrl.u32 s8, $0x3;
	s23 =	sor.u32 $0x1C02, s23;
	(pc) =	sbr.rel @p0 .LBB2_1-.Ltmp3, $4  }
0x6b: {  	[hbm:s15], [sflag:s23] =	dma.local [spmem:s24], $0x2800  }
0x6c: {  	_ =	swait.ge [sflag:s17], $0x2800  }
0x6d: {  	[sflag:s17] =	ssyncset.done $0x0  }
0x6e: {  	[sflag:s17] =	ssyncadd.s32 $0xFFFFD800  }
0x6f: {  	_ =	sfence.sel $0x180000  }
0x70: {  	[bflag:$0x0] =	sbarrier.arrive $0xFFFF  }
0x71: {  	p0 =	sne.s32 s2, $0x0;
	_ =	strace $0x90000047  }
0x72: {  	s0 =	sadd.s32 @!p0 $0x100000, s0;
	[bflag:$0x2] =	sbarrier.arrive $0xFFFF  }
0x73: {  	[sflag:s0] =	ssyncadd.tile.s32 @!p0 $0x1;
	_ =	shalt  }
.Lfunc_end2:
_tile_overlayer_lowered:
.L_overlay_start_2:
0x74: {  	(tag) =	ssettag $0x2  }
0x75: {  	s0 =	rddreg [dreg:$0x0];
	s2 =	stileid.u32  }
0x76: {  	s1 =	rddreg [dreg:$0x1];
	p0 =	sne.s32 s2, $0x0  }
0x77: {  	s3 =	rddreg [dreg:$0x2];
	[bflag:$0x3] =	sbarrier.arrive $0xFFFF;
	s2 =	simm.s32 @!p0 $0x1C02  }
0x78: {  	[timem:s3], [sflag:s2] =	dma.local @!p0 [hbm:s0], s1  }
0x79: {  	s0 =	simm.s32 @!p0 $0x2  }
0x7a: {  	_ =	swait.ge @!p0 [sflag:s0], s1  }
0x7b: {  	s1 =	ssub.s32 @!p0 $0x0, s1;
	[sflag:s0] =	ssyncset.done @!p0 $0x0  }
0x7c: {  	[sflag:s0] =	ssyncadd.s32 @!p0 s1  }
0x7d: {  	[bflag:$0x3] =	sbarrier.arrive $0xFFFF  }
0x7e: {  	_ =	shalt  }

</sc_bundles>
